<compile_context>
chip_gen: v7x
topology: tpu7x:2x2x1
jax: 0.10.2.dev20260603
libtpu: 0.0.44.dev20260713+nightly
codegen_flags: <defaults>
</compile_context>

<pallas_src>
import functools

import jax
import jax.numpy as jnp
from jax import lax
from jax.experimental import pallas as pl
from jax.experimental.pallas import tpu as pltpu
from jax.experimental.pallas import tpu_sc as plsc

_N_ROWS = 4096
_N_COLS = 8192
_LANES = 16
_NW = 32
_ROWS_PER_W = _N_ROWS // _NW
_CHUNK_ROWS = 32
_SUBGROUPS = _CHUNK_ROWS // _LANES
_CHUNK_COLS = 512
_N_STAGES = _N_COLS // _CHUNK_COLS
_N_CHUNKS = _ROWS_PER_W // _CHUNK_ROWS
_TOT = _N_CHUNKS * _N_STAGES
_PAD_COLS = _CHUNK_COLS + 1
_UNROLL = 4
_DMA_ONLY = True


def _sc_body(x_hbm, out_hbm, in_a, in_b, out_a, out_b, sem_ia, sem_ib,
             sem_oa, sem_ob):
    core = lax.axis_index("c")
    sub = lax.axis_index("s")
    wid = sub * 2 + core
    row_base = wid * _ROWS_PER_W

    row_iota = lax.iota(jnp.int32, _LANES)
    zeros = jnp.zeros((_LANES,), jnp.float32)
    group_rows = [row_iota + g * _LANES for g in range(_SUBGROUPS)]

    in_bufs = (in_a, in_b)
    out_bufs = (out_a, out_b)
    in_sems = (sem_ia, sem_ib)
    out_sems = (sem_oa, sem_ob)

    def hbm_slice(ref, s):
        r0 = row_base + (s // _N_STAGES) * _CHUNK_ROWS
        c0 = (s % _N_STAGES) * _CHUNK_COLS
        return ref.at[pl.ds(r0, _CHUNK_ROWS), pl.ds(c0, _CHUNK_COLS)]

    def vbuf(b):
        return b.at[:, pl.ds(0, _CHUNK_COLS)]

    def issue_in(s, p):
        return pltpu.async_copy(hbm_slice(x_hbm, s), vbuf(in_bufs[p]),
                                in_sems[p])

    def wait_in(s, p):
        pltpu.make_async_copy(hbm_slice(x_hbm, s), vbuf(in_bufs[p]),
                              in_sems[p]).wait()

    def issue_out(s, p):
        return pltpu.async_copy(vbuf(out_bufs[p]), hbm_slice(out_hbm, s),
                                out_sems[p])

    def wait_out(s, p):
        pltpu.make_async_copy(vbuf(out_bufs[p]), hbm_slice(out_hbm, s),
                              out_sems[p]).wait()

    def compute_stage(s, p, accs):
        fresh = (s % _N_STAGES) == 0
        accs = tuple(jnp.where(fresh, zeros, a) for a in accs)
        buf_in, buf_out = in_bufs[p], out_bufs[p]
        col0 = jnp.zeros((_LANES,), jnp.int32)

        def step(j, carry):
            colv = carry[0]
            accs_in = list(carry[1:])
            for u in range(_UNROLL):
                cv = colv + u
                for g in range(_SUBGROUPS):
                    v = plsc.load_gather(buf_in, [group_rows[g], cv])
                    accs_in[g] = accs_in[g] + v
                    plsc.store_scatter(buf_out, [group_rows[g], cv],
                                       accs_in[g])
            return (colv + _UNROLL,) + tuple(accs_in)

        if _DMA_ONLY:
            return accs
        carry = lax.fori_loop(0, _CHUNK_COLS // _UNROLL, step, (col0,) + accs)
        return carry[1:]

    issue_in(0, 0)
    accs0 = (zeros,) * _SUBGROUPS

    def pair(t, accs):
        s0 = 2 * t
        s1 = s0 + 1
        wait_in(s0, 0)
        issue_in(s1, 1)

        @pl.when(t >= 1)
        def _():
            wait_out(s0 - 2, 0)

        accs = compute_stage(s0, 0, accs)
        issue_out(s0, 0)

        wait_in(s1, 1)

        @pl.when(t + 1 < _TOT // 2)
        def _():
            issue_in(s0 + 2, 0)

        @pl.when(t >= 1)
        def _():
            wait_out(s1 - 2, 1)

        accs = compute_stage(s1, 1, accs)
        issue_out(s1, 1)
        return accs

    lax.fori_loop(0, _TOT // 2, pair, accs0)
    wait_out(_TOT - 2, 0)
    wait_out(_TOT - 1, 1)


@jax.jit
def kernel(x):
    mesh = plsc.VectorSubcoreMesh(core_axis_name="c", subcore_axis_name="s")
    buf = pltpu.VMEM((_CHUNK_ROWS, _PAD_COLS), jnp.float32)
    k = functools.partial(
        pl.kernel,
        mesh=mesh,
        out_type=jax.ShapeDtypeStruct((_N_ROWS, _N_COLS), jnp.float32),
        scratch_types=[buf, buf, buf, buf,
                       pltpu.SemaphoreType.DMA, pltpu.SemaphoreType.DMA,
                       pltpu.SemaphoreType.DMA, pltpu.SemaphoreType.DMA],
        compiler_params=pltpu.CompilerParams(
            use_tc_tiling_on_sc=False, needs_layout_passes=False),
    )(_sc_body)
    return k(x)

# --- scband reference (transcript-rebuilt; emitter-appended) ---
"""Pipeline reference for scband-model-new-23656679866934 (READ-ONLY COPY).

The authoritative reference and input builder live on the scoring server;
editing this copy changes nothing except your own understanding.
"""

import jax, jax.numpy as jnp
import numpy as np

def setup_inputs(seed: int = 0) -> dict:
    key = jax.random.key(seed)
    x = jax.random.normal(key, (4096, 8192), dtype=jnp.float32)
    return {"x": x}

def reference(x) -> jnp.ndarray:
    # Faithful translation of the custom CUDA cumsum kernel: inclusive prefix sum along dim=1
    return jnp.cumsum(x, axis=1)

if __name__ == "__main__":
    import jax
    _d = setup_inputs()
    print(jax.jit(kernel)(*tuple(_d.values())))

</pallas_src>

<mosaic_0001>
#map = affine_map<(d0, d1) -> (0, 0)>
module attributes {stable_mosaic.version = 14 : i64} {
  func.func @_sc_body(%arg0: i32, %arg1: i32, %arg2: memref<4096x8192xf32, #tpu.memory_space<hbm>>, %arg3: memref<4096x8192xf32, #tpu.memory_space<hbm>>, %arg4: memref<32x513xf32, #tpu.memory_space<vmem>>, %arg5: memref<32x513xf32, #tpu.memory_space<vmem>>, %arg6: memref<32x513xf32, #tpu.memory_space<vmem>>, %arg7: memref<32x513xf32, #tpu.memory_space<vmem>>, %arg8: memref<!tpu.dma_semaphore, #tpu.memory_space<semaphore_mem>>, %arg9: memref<!tpu.dma_semaphore, #tpu.memory_space<semaphore_mem>>, %arg10: memref<!tpu.dma_semaphore, #tpu.memory_space<semaphore_mem>>, %arg11: memref<!tpu.dma_semaphore, #tpu.memory_space<semaphore_mem>>) attributes {dimension_semantics = [#tpu.dimension_semantics<core_parallel>, #tpu.dimension_semantics<subcore_parallel>], iteration_bounds = array<i64: 2, 16>, scalar_prefetch = 0 : i64, scratch_operands = 8 : i64, tpu.core_type = #tpu.core_type<sc_vector_subcore>, window_params = [{transform_indices = #map}, {transform_indices = #map}]} {
    %mul3A = arith.constant 2 : i32
    %mul3A_0 = arith.muli %arg1, %mul3A : i32
    %add3A = arith.addi %mul3A_0, %arg0 : i32
    %mul3A_1 = arith.constant 128 : i32
    %mul3A_2 = arith.muli %add3A, %mul3A_1 : i32
    %iota3A = tpu.iota {dimensions = array<i32: 0>} : vector<16xi32>
    %broadcast_in_dim3A = arith.constant 0.000000e+00 : f32
    %broadcast_in_dim3A_3 = vector.broadcast %broadcast_in_dim3A : f32 to vector<16xf32>
    %add3A_4 = arith.constant 0 : i32
    %add3A_5 = vector.broadcast %add3A_4 : i32 to vector<16xi32>
    %add3A_6 = arith.addi %iota3A, %add3A_5 : vector<16xi32>
    %add3A_7 = arith.constant 16 : i32
    %add3A_8 = vector.broadcast %add3A_7 : i32 to vector<16xi32>
    %add3A_9 = arith.addi %iota3A, %add3A_8 : vector<16xi32>
    %add3A_10 = arith.constant 0 : i32
    %add3A_11 = arith.addi %mul3A_2, %add3A_10 : i32
    %dma_start3A = arith.constant 0 : i32
    %dma_start3A_12 = arith.constant 0 : i32
    %dma_start3A_13 = tpu.memref_slice %arg4[%dma_start3A, %dma_start3A_12] : memref<32x513xf32, #tpu.memory_space<vmem>> -> memref<32x512xf32, #tpu.memory_space<vmem>>
    %dma_start3A_14 = arith.constant 0 : i32
    %dma_start3A_15 = tpu.memref_slice %arg2[%add3A_11, %dma_start3A_14] : memref<4096x8192xf32, #tpu.memory_space<hbm>> -> memref<32x512xf32, #tpu.memory_space<hbm>>
    %dma_start3A_16 = arith.constant 0 : i32
    %dma_start3A_17 = arith.constant 0 : i32
    %dma_start3A_18 = tpu.memref_slice %arg4[%dma_start3A_16, %dma_start3A_17] : memref<32x513xf32, #tpu.memory_space<vmem>> -> memref<32x512xf32, #tpu.memory_space<vmem>>
    %dma_start3A_19 = arith.constant 0 : i32
    %dma_start3A_20 = tpu.memref_slice %arg2[%add3A_11, %dma_start3A_19] : memref<4096x8192xf32, #tpu.memory_space<hbm>> -> memref<32x512xf32, #tpu.memory_space<hbm>>
    tpu.enqueue_dma source(%dma_start3A_20 : memref<32x512xf32, #tpu.memory_space<hbm>>) target(%dma_start3A_18 : memref<32x512xf32, #tpu.memory_space<vmem>>) target_semaphore(%arg8 : memref<!tpu.dma_semaphore, #tpu.memory_space<semaphore_mem>>)
    %scan3A = arith.constant 0 : i32
    %scan3A_21 = arith.constant 32 : i32
    %scan3A_22 = arith.addi %scan3A, %scan3A_21 : i32
    %scan3A_23 = arith.constant 1 : i32
    %scan3A_24:2 = scf.for %scan3A_49 = %scan3A to %scan3A_22 step %scan3A_23 iter_args(%scan3A_50 = %broadcast_in_dim3A_3, %scan3A_51 = %broadcast_in_dim3A_3) -> (vector<16xf32>, vector<16xf32>)  : i32 {
      %mul3A_52 = arith.constant 2 : i32
      %mul3A_53 = arith.muli %mul3A_52, %scan3A_49 : i32
      %add3A_54 = arith.constant 1 : i32
      %add3A_55 = arith.addi %mul3A_53, %add3A_54 : i32
      %jit3A = arith.constant 16 : i32
      %div3A = arith.divsi %mul3A_53, %jit3A : i32
      %sign3A = arith.constant 0 : i32
      %sign3A_56 = arith.cmpi sgt, %mul3A_53, %sign3A : i32
      %sign3A_57 = arith.extui %sign3A_56 : i1 to i32
      %sign3A_58 = arith.constant 0 : i32
      %sign3A_59 = arith.cmpi slt, %mul3A_53, %sign3A_58 : i32
      %sign3A_60 = arith.extui %sign3A_59 : i1 to i32
      %sign3A_61 = arith.subi %sign3A_57, %sign3A_60 : i32
      %sign3A_62 = arith.constant 0 : i32
      %sign3A_63 = arith.cmpi sgt, %jit3A, %sign3A_62 : i32
      %sign3A_64 = arith.extui %sign3A_63 : i1 to i32
      %sign3A_65 = arith.constant 0 : i32
      %sign3A_66 = arith.cmpi slt, %jit3A, %sign3A_65 : i32
      %sign3A_67 = arith.extui %sign3A_66 : i1 to i32
      %sign3A_68 = arith.subi %sign3A_64, %sign3A_67 : i32
      %ne3A = arith.cmpi ne, %sign3A_61, %sign3A_68 : i32
      %rem3A = arith.remsi %mul3A_53, %jit3A : i32
      %ne3A_69 = arith.constant 0 : i32
      %ne3A_70 = arith.cmpi ne, %rem3A, %ne3A_69 : i32
      %and3A = arith.andi %ne3A, %ne3A_70 : i1
      %sub3A = arith.constant 1 : i32
      %sub3A_71 = arith.subi %div3A, %sub3A : i32
      %select_n3A = arith.select %and3A, %sub3A_71, %div3A : i32
      %mul3A_72 = arith.constant 32 : i32
      %mul3A_73 = arith.muli %select_n3A, %mul3A_72 : i32
      %add3A_74 = arith.addi %mul3A_2, %mul3A_73 : i32
      %jit3A_75 = arith.constant 16 : i32
      %eq3A = arith.constant 0 : i32
      %eq3A_76 = arith.cmpi eq, %jit3A_75, %eq3A : i32
      %jit3A_77 = arith.constant 1 : i32
      %select_n3A_78 = arith.select %eq3A_76, %jit3A_77, %jit3A_75 : i32
      %rem3A_79 = arith.remsi %mul3A_53, %select_n3A_78 : i32
      %ne3A_80 = arith.constant 0 : i32
      %ne3A_81 = arith.cmpi ne, %rem3A_79, %ne3A_80 : i32
      %lt3A = arith.constant 0 : i32
      %lt3A_82 = arith.cmpi slt, %rem3A_79, %lt3A : i32
      %lt3A_83 = arith.constant 0 : i32
      %lt3A_84 = arith.cmpi slt, %select_n3A_78, %lt3A_83 : i32
      %ne3A_85 = arith.xori %lt3A_82, %lt3A_84 : i1
      %and3A_86 = arith.andi %ne3A_85, %ne3A_81 : i1
      %add3A_87 = arith.addi %rem3A_79, %select_n3A_78 : i32
      %select_n3A_88 = arith.select %and3A_86, %add3A_87, %rem3A_79 : i32
      %mul3A_89 = arith.constant 512 : i32
      %mul3A_90 = arith.muli %select_n3A_88, %mul3A_89 : i32
      %dma_wait3A_91 = arith.constant 0 : i32
      %dma_wait3A_92 = arith.constant 0 : i32
      %dma_wait3A_93 = tpu.memref_slice %arg4[%dma_wait3A_91, %dma_wait3A_92] : memref<32x513xf32, #tpu.memory_space<vmem>> -> memref<32x512xf32, #tpu.memory_space<vmem>>
      %dma_wait3A_94 = tpu.memref_slice %arg2[%add3A_74, %mul3A_90] : memref<4096x8192xf32, #tpu.memory_space<hbm>> -> memref<32x512xf32, #tpu.memory_space<hbm>>
      %dma_wait3A_95 = arith.constant 0 : i32
      %dma_wait3A_96 = arith.constant 0 : i32
      %dma_wait3A_97 = tpu.memref_slice %arg4[%dma_wait3A_95, %dma_wait3A_96] : memref<32x513xf32, #tpu.memory_space<vmem>> -> memref<32x512xf32, #tpu.memory_space<vmem>>
      %dma_wait3A_98 = tpu.memref_slice %arg2[%add3A_74, %mul3A_90] : memref<4096x8192xf32, #tpu.memory_space<hbm>> -> memref<32x512xf32, #tpu.memory_space<hbm>>
      tpu.wait_dma2 semaphore(%arg8 : memref<!tpu.dma_semaphore, #tpu.memory_space<semaphore_mem>>) src(%dma_wait3A_98 : memref<32x512xf32, #tpu.memory_space<hbm>>) dst(%dma_wait3A_97 : memref<32x512xf32, #tpu.memory_space<vmem>>)
      %jit3A_99 = arith.constant 16 : i32
      %div3A_100 = arith.divsi %add3A_55, %jit3A_99 : i32
      %sign3A_101 = arith.constant 0 : i32
      %sign3A_102 = arith.cmpi sgt, %add3A_55, %sign3A_101 : i32
      %sign3A_103 = arith.extui %sign3A_102 : i1 to i32
      %sign3A_104 = arith.constant 0 : i32
      %sign3A_105 = arith.cmpi slt, %add3A_55, %sign3A_104 : i32
      %sign3A_106 = arith.extui %sign3A_105 : i1 to i32
      %sign3A_107 = arith.subi %sign3A_103, %sign3A_106 : i32
      %sign3A_108 = arith.constant 0 : i32
      %sign3A_109 = arith.cmpi sgt, %jit3A_99, %sign3A_108 : i32
      %sign3A_110 = arith.extui %sign3A_109 : i1 to i32
      %sign3A_111 = arith.constant 0 : i32
      %sign3A_112 = arith.cmpi slt, %jit3A_99, %sign3A_111 : i32
      %sign3A_113 = arith.extui %sign3A_112 : i1 to i32
      %sign3A_114 = arith.subi %sign3A_110, %sign3A_113 : i32
      %ne3A_115 = arith.cmpi ne, %sign3A_107, %sign3A_114 : i32
      %rem3A_116 = arith.remsi %add3A_55, %jit3A_99 : i32
      %ne3A_117 = arith.constant 0 : i32
      %ne3A_118 = arith.cmpi ne, %rem3A_116, %ne3A_117 : i32
      %and3A_119 = arith.andi %ne3A_115, %ne3A_118 : i1
      %sub3A_120 = arith.constant 1 : i32
      %sub3A_121 = arith.subi %div3A_100, %sub3A_120 : i32
      %select_n3A_122 = arith.select %and3A_119, %sub3A_121, %div3A_100 : i32
      %mul3A_123 = arith.constant 32 : i32
      %mul3A_124 = arith.muli %select_n3A_122, %mul3A_123 : i32
      %add3A_125 = arith.addi %mul3A_2, %mul3A_124 : i32
      %jit3A_126 = arith.constant 16 : i32
      %eq3A_127 = arith.constant 0 : i32
      %eq3A_128 = arith.cmpi eq, %jit3A_126, %eq3A_127 : i32
      %jit3A_129 = arith.constant 1 : i32
      %select_n3A_130 = arith.select %eq3A_128, %jit3A_129, %jit3A_126 : i32
      %rem3A_131 = arith.remsi %add3A_55, %select_n3A_130 : i32
      %ne3A_132 = arith.constant 0 : i32
      %ne3A_133 = arith.cmpi ne, %rem3A_131, %ne3A_132 : i32
      %lt3A_134 = arith.constant 0 : i32
      %lt3A_135 = arith.cmpi slt, %rem3A_131, %lt3A_134 : i32
      %lt3A_136 = arith.constant 0 : i32
      %lt3A_137 = arith.cmpi slt, %select_n3A_130, %lt3A_136 : i32
      %ne3A_138 = arith.xori %lt3A_135, %lt3A_137 : i1
      %and3A_139 = arith.andi %ne3A_138, %ne3A_133 : i1
      %add3A_140 = arith.addi %rem3A_131, %select_n3A_130 : i32
      %select_n3A_141 = arith.select %and3A_139, %add3A_140, %rem3A_131 : i32
      %mul3A_142 = arith.constant 512 : i32
      %mul3A_143 = arith.muli %select_n3A_141, %mul3A_142 : i32
      %dma_start3A_144 = arith.constant 0 : i32
      %dma_start3A_145 = arith.constant 0 : i32
      %dma_start3A_146 = tpu.memref_slice %arg5[%dma_start3A_144, %dma_start3A_145] : memref<32x513xf32, #tpu.memory_space<vmem>> -> memref<32x512xf32, #tpu.memory_space<vmem>>
      %dma_start3A_147 = tpu.memref_slice %arg2[%add3A_125, %mul3A_143] : memref<4096x8192xf32, #tpu.memory_space<hbm>> -> memref<32x512xf32, #tpu.memory_space<hbm>>
      %dma_start3A_148 = arith.constant 0 : i32
      %dma_start3A_149 = arith.constant 0 : i32
      %dma_start3A_150 = tpu.memref_slice %arg5[%dma_start3A_148, %dma_start3A_149] : memref<32x513xf32, #tpu.memory_space<vmem>> -> memref<32x512xf32, #tpu.memory_space<vmem>>
      %dma_start3A_151 = tpu.memref_slice %arg2[%add3A_125, %mul3A_143] : memref<4096x8192xf32, #tpu.memory_space<hbm>> -> memref<32x512xf32, #tpu.memory_space<hbm>>
      tpu.enqueue_dma source(%dma_start3A_151 : memref<32x512xf32, #tpu.memory_space<hbm>>) target(%dma_start3A_150 : memref<32x512xf32, #tpu.memory_space<vmem>>) target_semaphore(%arg9 : memref<!tpu.dma_semaphore, #tpu.memory_space<semaphore_mem>>)
      %ge3A = arith.constant 1 : i32
      %ge3A_152 = arith.cmpi sge, %scan3A_49, %ge3A : i32
      %convert_element_type3A = arith.extui %ge3A_152 : i1 to i32
      %cond3A = arith.constant 0 : i32
      %cond3A_153 = arith.cmpi ne, %convert_element_type3A, %cond3A : i32
      scf.if %cond3A_153 {
        %sub3A_369 = arith.constant 2 : i32
        %sub3A_370 = arith.subi %mul3A_53, %sub3A_369 : i32
        %jit3A_371 = arith.constant 16 : i32
        %div3A_372 = arith.divsi %sub3A_370, %jit3A_371 : i32
        %sign3A_373 = arith.constant 0 : i32
        %sign3A_374 = arith.cmpi sgt, %sub3A_370, %sign3A_373 : i32
        %sign3A_375 = arith.extui %sign3A_374 : i1 to i32
        %sign3A_376 = arith.constant 0 : i32
        %sign3A_377 = arith.cmpi slt, %sub3A_370, %sign3A_376 : i32
        %sign3A_378 = arith.extui %sign3A_377 : i1 to i32
        %sign3A_379 = arith.subi %sign3A_375, %sign3A_378 : i32
        %sign3A_380 = arith.constant 0 : i32
        %sign3A_381 = arith.cmpi sgt, %jit3A_371, %sign3A_380 : i32
        %sign3A_382 = arith.extui %sign3A_381 : i1 to i32
        %sign3A_383 = arith.constant 0 : i32
        %sign3A_384 = arith.cmpi slt, %jit3A_371, %sign3A_383 : i32
        %sign3A_385 = arith.extui %sign3A_384 : i1 to i32
        %sign3A_386 = arith.subi %sign3A_382, %sign3A_385 : i32
        %ne3A_387 = arith.cmpi ne, %sign3A_379, %sign3A_386 : i32
        %rem3A_388 = arith.remsi %sub3A_370, %jit3A_371 : i32
        %ne3A_389 = arith.constant 0 : i32
        %ne3A_390 = arith.cmpi ne, %rem3A_388, %ne3A_389 : i32
        %and3A_391 = arith.andi %ne3A_387, %ne3A_390 : i1
        %sub3A_392 = arith.constant 1 : i32
        %sub3A_393 = arith.subi %div3A_372, %sub3A_392 : i32
        %select_n3A_394 = arith.select %and3A_391, %sub3A_393, %div3A_372 : i32
        %mul3A_395 = arith.constant 32 : i32
        %mul3A_396 = arith.muli %select_n3A_394, %mul3A_395 : i32
        %add3A_397 = arith.addi %mul3A_2, %mul3A_396 : i32
        %jit3A_398 = arith.constant 16 : i32
        %eq3A_399 = arith.constant 0 : i32
        %eq3A_400 = arith.cmpi eq, %jit3A_398, %eq3A_399 : i32
        %jit3A_401 = arith.constant 1 : i32
        %select_n3A_402 = arith.select %eq3A_400, %jit3A_401, %jit3A_398 : i32
        %rem3A_403 = arith.remsi %sub3A_370, %select_n3A_402 : i32
        %ne3A_404 = arith.constant 0 : i32
        %ne3A_405 = arith.cmpi ne, %rem3A_403, %ne3A_404 : i32
        %lt3A_406 = arith.constant 0 : i32
        %lt3A_407 = arith.cmpi slt, %rem3A_403, %lt3A_406 : i32
        %lt3A_408 = arith.constant 0 : i32
        %lt3A_409 = arith.cmpi slt, %select_n3A_402, %lt3A_408 : i32
        %ne3A_410 = arith.xori %lt3A_407, %lt3A_409 : i1
        %and3A_411 = arith.andi %ne3A_410, %ne3A_405 : i1
        %add3A_412 = arith.addi %rem3A_403, %select_n3A_402 : i32
        %select_n3A_413 = arith.select %and3A_411, %add3A_412, %rem3A_403 : i32
        %mul3A_414 = arith.constant 512 : i32
        %mul3A_415 = arith.muli %select_n3A_413, %mul3A_414 : i32
        %dma_wait3A_416 = arith.constant 0 : i32
        %dma_wait3A_417 = arith.constant 0 : i32
        %dma_wait3A_418 = tpu.memref_slice %arg6[%dma_wait3A_416, %dma_wait3A_417] : memref<32x513xf32, #tpu.memory_space<vmem>> -> memref<32x512xf32, #tpu.memory_space<vmem>>
        %dma_wait3A_419 = tpu.memref_slice %arg3[%add3A_397, %mul3A_415] : memref<4096x8192xf32, #tpu.memory_space<hbm>> -> memref<32x512xf32, #tpu.memory_space<hbm>>
        %dma_wait3A_420 = tpu.memref_slice %arg3[%add3A_397, %mul3A_415] : memref<4096x8192xf32, #tpu.memory_space<hbm>> -> memref<32x512xf32, #tpu.memory_space<hbm>>
        %dma_wait3A_421 = arith.constant 0 : i32
        %dma_wait3A_422 = arith.constant 0 : i32
        %dma_wait3A_423 = tpu.memref_slice %arg6[%dma_wait3A_421, %dma_wait3A_422] : memref<32x513xf32, #tpu.memory_space<vmem>> -> memref<32x512xf32, #tpu.memory_space<vmem>>
        tpu.wait_dma2 semaphore(%arg10 : memref<!tpu.dma_semaphore, #tpu.memory_space<semaphore_mem>>) src(%dma_wait3A_423 : memref<32x512xf32, #tpu.memory_space<vmem>>) dst(%dma_wait3A_420 : memref<32x512xf32, #tpu.memory_space<hbm>>)
      } else {
      }
      %jit3A_154 = arith.constant 16 : i32
      %eq3A_155 = arith.constant 0 : i32
      %eq3A_156 = arith.cmpi eq, %jit3A_154, %eq3A_155 : i32
      %jit3A_157 = arith.constant 1 : i32
      %select_n3A_158 = arith.select %eq3A_156, %jit3A_157, %jit3A_154 : i32
      %rem3A_159 = arith.remsi %mul3A_53, %select_n3A_158 : i32
      %ne3A_160 = arith.constant 0 : i32
      %ne3A_161 = arith.cmpi ne, %rem3A_159, %ne3A_160 : i32
      %lt3A_162 = arith.constant 0 : i32
      %lt3A_163 = arith.cmpi slt, %rem3A_159, %lt3A_162 : i32
      %lt3A_164 = arith.constant 0 : i32
      %lt3A_165 = arith.cmpi slt, %select_n3A_158, %lt3A_164 : i32
      %ne3A_166 = arith.xori %lt3A_163, %lt3A_165 : i1
      %and3A_167 = arith.andi %ne3A_166, %ne3A_161 : i1
      %add3A_168 = arith.addi %rem3A_159, %select_n3A_158 : i32
      %select_n3A_169 = arith.select %and3A_167, %add3A_168, %rem3A_159 : i32
      %eq3A_170 = arith.constant 0 : i32
      %eq3A_171 = arith.cmpi eq, %select_n3A_169, %eq3A_170 : i32
      %select_n3A_172 = arith.select %eq3A_171, %broadcast_in_dim3A_3, %scan3A_50 : vector<16xf32>
      %select_n3A_173 = arith.select %eq3A_171, %broadcast_in_dim3A_3, %scan3A_51 : vector<16xf32>
      %broadcast_in_dim3A_174 = arith.constant 0 : i32
      %broadcast_in_dim3A_175 = vector.broadcast %broadcast_in_dim3A_174 : i32 to vector<16xi32>
      %jit3A_176 = arith.constant 16 : i32
      %div3A_177 = arith.divsi %mul3A_53, %jit3A_176 : i32
      %sign3A_178 = arith.constant 0 : i32
      %sign3A_179 = arith.cmpi sgt, %mul3A_53, %sign3A_178 : i32
      %sign3A_180 = arith.extui %sign3A_179 : i1 to i32
      %sign3A_181 = arith.constant 0 : i32
      %sign3A_182 = arith.cmpi slt, %mul3A_53, %sign3A_181 : i32
      %sign3A_183 = arith.extui %sign3A_182 : i1 to i32
      %sign3A_184 = arith.subi %sign3A_180, %sign3A_183 : i32
      %sign3A_185 = arith.constant 0 : i32
      %sign3A_186 = arith.cmpi sgt, %jit3A_176, %sign3A_185 : i32
      %sign3A_187 = arith.extui %sign3A_186 : i1 to i32
      %sign3A_188 = arith.constant 0 : i32
      %sign3A_189 = arith.cmpi slt, %jit3A_176, %sign3A_188 : i32
      %sign3A_190 = arith.extui %sign3A_189 : i1 to i32
      %sign3A_191 = arith.subi %sign3A_187, %sign3A_190 : i32
      %ne3A_192 = arith.cmpi ne, %sign3A_184, %sign3A_191 : i32
      %rem3A_193 = arith.remsi %mul3A_53, %jit3A_176 : i32
      %ne3A_194 = arith.constant 0 : i32
      %ne3A_195 = arith.cmpi ne, %rem3A_193, %ne3A_194 : i32
      %and3A_196 = arith.andi %ne3A_192, %ne3A_195 : i1
      %sub3A_197 = arith.constant 1 : i32
      %sub3A_198 = arith.subi %div3A_177, %sub3A_197 : i32
      %select_n3A_199 = arith.select %and3A_196, %sub3A_198, %div3A_177 : i32
      %mul3A_200 = arith.constant 32 : i32
      %mul3A_201 = arith.muli %select_n3A_199, %mul3A_200 : i32
      %add3A_202 = arith.addi %mul3A_2, %mul3A_201 : i32
      %jit3A_203 = arith.constant 16 : i32
      %eq3A_204 = arith.constant 0 : i32
      %eq3A_205 = arith.cmpi eq, %jit3A_203, %eq3A_204 : i32
      %jit3A_206 = arith.constant 1 : i32
      %select_n3A_207 = arith.select %eq3A_205, %jit3A_206, %jit3A_203 : i32
      %rem3A_208 = arith.remsi %mul3A_53, %select_n3A_207 : i32
      %ne3A_209 = arith.constant 0 : i32
      %ne3A_210 = arith.cmpi ne, %rem3A_208, %ne3A_209 : i32
      %lt3A_211 = arith.constant 0 : i32
      %lt3A_212 = arith.cmpi slt, %rem3A_208, %lt3A_211 : i32
      %lt3A_213 = arith.constant 0 : i32
      %lt3A_214 = arith.cmpi slt, %select_n3A_207, %lt3A_213 : i32
      %ne3A_215 = arith.xori %lt3A_212, %lt3A_214 : i1
      %and3A_216 = arith.andi %ne3A_215, %ne3A_210 : i1
      %add3A_217 = arith.addi %rem3A_208, %select_n3A_207 : i32
      %select_n3A_218 = arith.select %and3A_216, %add3A_217, %rem3A_208 : i32
      %mul3A_219 = arith.constant 512 : i32
      %mul3A_220 = arith.muli %select_n3A_218, %mul3A_219 : i32
      %dma_start3A_221 = arith.constant 0 : i32
      %dma_start3A_222 = arith.constant 0 : i32
      %dma_start3A_223 = tpu.memref_slice %arg6[%dma_start3A_221, %dma_start3A_222] : memref<32x513xf32, #tpu.memory_space<vmem>> -> memref<32x512xf32, #tpu.memory_space<vmem>>
      %dma_start3A_224 = tpu.memref_slice %arg3[%add3A_202, %mul3A_220] : memref<4096x8192xf32, #tpu.memory_space<hbm>> -> memref<32x512xf32, #tpu.memory_space<hbm>>
      %dma_start3A_225 = tpu.memref_slice %arg3[%add3A_202, %mul3A_220] : memref<4096x8192xf32, #tpu.memory_space<hbm>> -> memref<32x512xf32, #tpu.memory_space<hbm>>
      %dma_start3A_226 = arith.constant 0 : i32
      %dma_start3A_227 = arith.constant 0 : i32
      %dma_start3A_228 = tpu.memref_slice %arg6[%dma_start3A_226, %dma_start3A_227] : memref<32x513xf32, #tpu.memory_space<vmem>> -> memref<32x512xf32, #tpu.memory_space<vmem>>
      tpu.enqueue_dma source(%dma_start3A_228 : memref<32x512xf32, #tpu.memory_space<vmem>>) target(%dma_start3A_225 : memref<32x512xf32, #tpu.memory_space<hbm>>) target_semaphore(%arg10 : memref<!tpu.dma_semaphore, #tpu.memory_space<semaphore_mem>>)
      %jit3A_229 = arith.constant 16 : i32
      %div3A_230 = arith.divsi %add3A_55, %jit3A_229 : i32
      %sign3A_231 = arith.constant 0 : i32
      %sign3A_232 = arith.cmpi sgt, %add3A_55, %sign3A_231 : i32
      %sign3A_233 = arith.extui %sign3A_232 : i1 to i32
      %sign3A_234 = arith.constant 0 : i32
      %sign3A_235 = arith.cmpi slt, %add3A_55, %sign3A_234 : i32
      %sign3A_236 = arith.extui %sign3A_235 : i1 to i32
      %sign3A_237 = arith.subi %sign3A_233, %sign3A_236 : i32
      %sign3A_238 = arith.constant 0 : i32
      %sign3A_239 = arith.cmpi sgt, %jit3A_229, %sign3A_238 : i32
      %sign3A_240 = arith.extui %sign3A_239 : i1 to i32
      %sign3A_241 = arith.constant 0 : i32
      %sign3A_242 = arith.cmpi slt, %jit3A_229, %sign3A_241 : i32
      %sign3A_243 = arith.extui %sign3A_242 : i1 to i32
      %sign3A_244 = arith.subi %sign3A_240, %sign3A_243 : i32
      %ne3A_245 = arith.cmpi ne, %sign3A_237, %sign3A_244 : i32
      %rem3A_246 = arith.remsi %add3A_55, %jit3A_229 : i32
      %ne3A_247 = arith.constant 0 : i32
      %ne3A_248 = arith.cmpi ne, %rem3A_246, %ne3A_247 : i32
      %and3A_249 = arith.andi %ne3A_245, %ne3A_248 : i1
      %sub3A_250 = arith.constant 1 : i32
      %sub3A_251 = arith.subi %div3A_230, %sub3A_250 : i32
      %select_n3A_252 = arith.select %and3A_249, %sub3A_251, %div3A_230 : i32
      %mul3A_253 = arith.constant 32 : i32
      %mul3A_254 = arith.muli %select_n3A_252, %mul3A_253 : i32
      %add3A_255 = arith.addi %mul3A_2, %mul3A_254 : i32
      %jit3A_256 = arith.constant 16 : i32
      %eq3A_257 = arith.constant 0 : i32
      %eq3A_258 = arith.cmpi eq, %jit3A_256, %eq3A_257 : i32
      %jit3A_259 = arith.constant 1 : i32
      %select_n3A_260 = arith.select %eq3A_258, %jit3A_259, %jit3A_256 : i32
      %rem3A_261 = arith.remsi %add3A_55, %select_n3A_260 : i32
      %ne3A_262 = arith.constant 0 : i32
      %ne3A_263 = arith.cmpi ne, %rem3A_261, %ne3A_262 : i32
      %lt3A_264 = arith.constant 0 : i32
      %lt3A_265 = arith.cmpi slt, %rem3A_261, %lt3A_264 : i32
      %lt3A_266 = arith.constant 0 : i32
      %lt3A_267 = arith.cmpi slt, %select_n3A_260, %lt3A_266 : i32
      %ne3A_268 = arith.xori %lt3A_265, %lt3A_267 : i1
      %and3A_269 = arith.andi %ne3A_268, %ne3A_263 : i1
      %add3A_270 = arith.addi %rem3A_261, %select_n3A_260 : i32
      %select_n3A_271 = arith.select %and3A_269, %add3A_270, %rem3A_261 : i32
      %mul3A_272 = arith.constant 512 : i32
      %mul3A_273 = arith.muli %select_n3A_271, %mul3A_272 : i32
      %dma_wait3A_274 = arith.constant 0 : i32
      %dma_wait3A_275 = arith.constant 0 : i32
      %dma_wait3A_276 = tpu.memref_slice %arg5[%dma_wait3A_274, %dma_wait3A_275] : memref<32x513xf32, #tpu.memory_space<vmem>> -> memref<32x512xf32, #tpu.memory_space<vmem>>
      %dma_wait3A_277 = tpu.memref_slice %arg2[%add3A_255, %mul3A_273] : memref<4096x8192xf32, #tpu.memory_space<hbm>> -> memref<32x512xf32, #tpu.memory_space<hbm>>
      %dma_wait3A_278 = arith.constant 0 : i32
      %dma_wait3A_279 = arith.constant 0 : i32
      %dma_wait3A_280 = tpu.memref_slice %arg5[%dma_wait3A_278, %dma_wait3A_279] : memref<32x513xf32, #tpu.memory_space<vmem>> -> memref<32x512xf32, #tpu.memory_space<vmem>>
      %dma_wait3A_281 = tpu.memref_slice %arg2[%add3A_255, %mul3A_273] : memref<4096x8192xf32, #tpu.memory_space<hbm>> -> memref<32x512xf32, #tpu.memory_space<hbm>>
      tpu.wait_dma2 semaphore(%arg9 : memref<!tpu.dma_semaphore, #tpu.memory_space<semaphore_mem>>) src(%dma_wait3A_281 : memref<32x512xf32, #tpu.memory_space<hbm>>) dst(%dma_wait3A_280 : memref<32x512xf32, #tpu.memory_space<vmem>>)
      %add3A_282 = arith.constant 1 : i32
      %add3A_283 = arith.addi %scan3A_49, %add3A_282 : i32
      %lt3A_284 = arith.constant 32 : i32
      %lt3A_285 = arith.cmpi slt, %add3A_283, %lt3A_284 : i32
      %convert_element_type3A_286 = arith.extui %lt3A_285 : i1 to i32
      %cond3A_287 = arith.constant 0 : i32
      %cond3A_288 = arith.cmpi ne, %convert_element_type3A_286, %cond3A_287 : i32
      scf.if %cond3A_288 {
        %add3A_369 = arith.constant 2 : i32
        %add3A_370 = arith.addi %mul3A_53, %add3A_369 : i32
        %jit3A_371 = arith.constant 16 : i32
        %div3A_372 = arith.divsi %add3A_370, %jit3A_371 : i32
        %sign3A_373 = arith.constant 0 : i32
        %sign3A_374 = arith.cmpi sgt, %add3A_370, %sign3A_373 : i32
        %sign3A_375 = arith.extui %sign3A_374 : i1 to i32
        %sign3A_376 = arith.constant 0 : i32
        %sign3A_377 = arith.cmpi slt, %add3A_370, %sign3A_376 : i32
        %sign3A_378 = arith.extui %sign3A_377 : i1 to i32
        %sign3A_379 = arith.subi %sign3A_375, %sign3A_378 : i32
        %sign3A_380 = arith.constant 0 : i32
        %sign3A_381 = arith.cmpi sgt, %jit3A_371, %sign3A_380 : i32
        %sign3A_382 = arith.extui %sign3A_381 : i1 to i32
        %sign3A_383 = arith.constant 0 : i32
        %sign3A_384 = arith.cmpi slt, %jit3A_371, %sign3A_383 : i32
        %sign3A_385 = arith.extui %sign3A_384 : i1 to i32
        %sign3A_386 = arith.subi %sign3A_382, %sign3A_385 : i32
        %ne3A_387 = arith.cmpi ne, %sign3A_379, %sign3A_386 : i32
        %rem3A_388 = arith.remsi %add3A_370, %jit3A_371 : i32
        %ne3A_389 = arith.constant 0 : i32
        %ne3A_390 = arith.cmpi ne, %rem3A_388, %ne3A_389 : i32
        %and3A_391 = arith.andi %ne3A_387, %ne3A_390 : i1
        %sub3A_392 = arith.constant 1 : i32
        %sub3A_393 = arith.subi %div3A_372, %sub3A_392 : i32
        %select_n3A_394 = arith.select %and3A_391, %sub3A_393, %div3A_372 : i32
        %mul3A_395 = arith.constant 32 : i32
        %mul3A_396 = arith.muli %select_n3A_394, %mul3A_395 : i32
        %add3A_397 = arith.addi %mul3A_2, %mul3A_396 : i32
        %jit3A_398 = arith.constant 16 : i32
        %eq3A_399 = arith.constant 0 : i32
        %eq3A_400 = arith.cmpi eq, %jit3A_398, %eq3A_399 : i32
        %jit3A_401 = arith.constant 1 : i32
        %select_n3A_402 = arith.select %eq3A_400, %jit3A_401, %jit3A_398 : i32
        %rem3A_403 = arith.remsi %add3A_370, %select_n3A_402 : i32
        %ne3A_404 = arith.constant 0 : i32
        %ne3A_405 = arith.cmpi ne, %rem3A_403, %ne3A_404 : i32
        %lt3A_406 = arith.constant 0 : i32
        %lt3A_407 = arith.cmpi slt, %rem3A_403, %lt3A_406 : i32
        %lt3A_408 = arith.constant 0 : i32
        %lt3A_409 = arith.cmpi slt, %select_n3A_402, %lt3A_408 : i32
        %ne3A_410 = arith.xori %lt3A_407, %lt3A_409 : i1
        %and3A_411 = arith.andi %ne3A_410, %ne3A_405 : i1
        %add3A_412 = arith.addi %rem3A_403, %select_n3A_402 : i32
        %select_n3A_413 = arith.select %and3A_411, %add3A_412, %rem3A_403 : i32
        %mul3A_414 = arith.constant 512 : i32
        %mul3A_415 = arith.muli %select_n3A_413, %mul3A_414 : i32
        %dma_start3A_416 = arith.constant 0 : i32
        %dma_start3A_417 = arith.constant 0 : i32
        %dma_start3A_418 = tpu.memref_slice %arg4[%dma_start3A_416, %dma_start3A_417] : memref<32x513xf32, #tpu.memory_space<vmem>> -> memref<32x512xf32, #tpu.memory_space<vmem>>
        %dma_start3A_419 = tpu.memref_slice %arg2[%add3A_397, %mul3A_415] : memref<4096x8192xf32, #tpu.memory_space<hbm>> -> memref<32x512xf32, #tpu.memory_space<hbm>>
        %dma_start3A_420 = arith.constant 0 : i32
        %dma_start3A_421 = arith.constant 0 : i32
        %dma_start3A_422 = tpu.memref_slice %arg4[%dma_start3A_420, %dma_start3A_421] : memref<32x513xf32, #tpu.memory_space<vmem>> -> memref<32x512xf32, #tpu.memory_space<vmem>>
        %dma_start3A_423 = tpu.memref_slice %arg2[%add3A_397, %mul3A_415] : memref<4096x8192xf32, #tpu.memory_space<hbm>> -> memref<32x512xf32, #tpu.memory_space<hbm>>
        tpu.enqueue_dma source(%dma_start3A_423 : memref<32x512xf32, #tpu.memory_space<hbm>>) target(%dma_start3A_422 : memref<32x512xf32, #tpu.memory_space<vmem>>) target_semaphore(%arg8 : memref<!tpu.dma_semaphore, #tpu.memory_space<semaphore_mem>>)
      } else {
      }
      %ge3A_289 = arith.constant 1 : i32
      %ge3A_290 = arith.cmpi sge, %scan3A_49, %ge3A_289 : i32
      %convert_element_type3A_291 = arith.extui %ge3A_290 : i1 to i32
      %cond3A_292 = arith.constant 0 : i32
      %cond3A_293 = arith.cmpi ne, %convert_element_type3A_291, %cond3A_292 : i32
      scf.if %cond3A_293 {
        %sub3A_369 = arith.constant 2 : i32
        %sub3A_370 = arith.subi %add3A_55, %sub3A_369 : i32
        %jit3A_371 = arith.constant 16 : i32
        %div3A_372 = arith.divsi %sub3A_370, %jit3A_371 : i32
        %sign3A_373 = arith.constant 0 : i32
        %sign3A_374 = arith.cmpi sgt, %sub3A_370, %sign3A_373 : i32
        %sign3A_375 = arith.extui %sign3A_374 : i1 to i32
        %sign3A_376 = arith.constant 0 : i32
        %sign3A_377 = arith.cmpi slt, %sub3A_370, %sign3A_376 : i32
        %sign3A_378 = arith.extui %sign3A_377 : i1 to i32
        %sign3A_379 = arith.subi %sign3A_375, %sign3A_378 : i32
        %sign3A_380 = arith.constant 0 : i32
        %sign3A_381 = arith.cmpi sgt, %jit3A_371, %sign3A_380 : i32
        %sign3A_382 = arith.extui %sign3A_381 : i1 to i32
        %sign3A_383 = arith.constant 0 : i32
        %sign3A_384 = arith.cmpi slt, %jit3A_371, %sign3A_383 : i32
        %sign3A_385 = arith.extui %sign3A_384 : i1 to i32
        %sign3A_386 = arith.subi %sign3A_382, %sign3A_385 : i32
        %ne3A_387 = arith.cmpi ne, %sign3A_379, %sign3A_386 : i32
        %rem3A_388 = arith.remsi %sub3A_370, %jit3A_371 : i32
        %ne3A_389 = arith.constant 0 : i32
        %ne3A_390 = arith.cmpi ne, %rem3A_388, %ne3A_389 : i32
        %and3A_391 = arith.andi %ne3A_387, %ne3A_390 : i1
        %sub3A_392 = arith.constant 1 : i32
        %sub3A_393 = arith.subi %div3A_372, %sub3A_392 : i32
        %select_n3A_394 = arith.select %and3A_391, %sub3A_393, %div3A_372 : i32
        %mul3A_395 = arith.constant 32 : i32
        %mul3A_396 = arith.muli %select_n3A_394, %mul3A_395 : i32
        %add3A_397 = arith.addi %mul3A_2, %mul3A_396 : i32
        %jit3A_398 = arith.constant 16 : i32
        %eq3A_399 = arith.constant 0 : i32
        %eq3A_400 = arith.cmpi eq, %jit3A_398, %eq3A_399 : i32
        %jit3A_401 = arith.constant 1 : i32
        %select_n3A_402 = arith.select %eq3A_400, %jit3A_401, %jit3A_398 : i32
        %rem3A_403 = arith.remsi %sub3A_370, %select_n3A_402 : i32
        %ne3A_404 = arith.constant 0 : i32
        %ne3A_405 = arith.cmpi ne, %rem3A_403, %ne3A_404 : i32
        %lt3A_406 = arith.constant 0 : i32
        %lt3A_407 = arith.cmpi slt, %rem3A_403, %lt3A_406 : i32
        %lt3A_408 = arith.constant 0 : i32
        %lt3A_409 = arith.cmpi slt, %select_n3A_402, %lt3A_408 : i32
        %ne3A_410 = arith.xori %lt3A_407, %lt3A_409 : i1
        %and3A_411 = arith.andi %ne3A_410, %ne3A_405 : i1
        %add3A_412 = arith.addi %rem3A_403, %select_n3A_402 : i32
        %select_n3A_413 = arith.select %and3A_411, %add3A_412, %rem3A_403 : i32
        %mul3A_414 = arith.constant 512 : i32
        %mul3A_415 = arith.muli %select_n3A_413, %mul3A_414 : i32
        %dma_wait3A_416 = arith.constant 0 : i32
        %dma_wait3A_417 = arith.constant 0 : i32
        %dma_wait3A_418 = tpu.memref_slice %arg7[%dma_wait3A_416, %dma_wait3A_417] : memref<32x513xf32, #tpu.memory_space<vmem>> -> memref<32x512xf32, #tpu.memory_space<vmem>>
        %dma_wait3A_419 = tpu.memref_slice %arg3[%add3A_397, %mul3A_415] : memref<4096x8192xf32, #tpu.memory_space<hbm>> -> memref<32x512xf32, #tpu.memory_space<hbm>>
        %dma_wait3A_420 = tpu.memref_slice %arg3[%add3A_397, %mul3A_415] : memref<4096x8192xf32, #tpu.memory_space<hbm>> -> memref<32x512xf32, #tpu.memory_space<hbm>>
        %dma_wait3A_421 = arith.constant 0 : i32
        %dma_wait3A_422 = arith.constant 0 : i32
        %dma_wait3A_423 = tpu.memref_slice %arg7[%dma_wait3A_421, %dma_wait3A_422] : memref<32x513xf32, #tpu.memory_space<vmem>> -> memref<32x512xf32, #tpu.memory_space<vmem>>
        tpu.wait_dma2 semaphore(%arg11 : memref<!tpu.dma_semaphore, #tpu.memory_space<semaphore_mem>>) src(%dma_wait3A_423 : memref<32x512xf32, #tpu.memory_space<vmem>>) dst(%dma_wait3A_420 : memref<32x512xf32, #tpu.memory_space<hbm>>)
      } else {
      }
      %jit3A_294 = arith.constant 16 : i32
      %eq3A_295 = arith.constant 0 : i32
      %eq3A_296 = arith.cmpi eq, %jit3A_294, %eq3A_295 : i32
      %jit3A_297 = arith.constant 1 : i32
      %select_n3A_298 = arith.select %eq3A_296, %jit3A_297, %jit3A_294 : i32
      %rem3A_299 = arith.remsi %add3A_55, %select_n3A_298 : i32
      %ne3A_300 = arith.constant 0 : i32
      %ne3A_301 = arith.cmpi ne, %rem3A_299, %ne3A_300 : i32
      %lt3A_302 = arith.constant 0 : i32
      %lt3A_303 = arith.cmpi slt, %rem3A_299, %lt3A_302 : i32
      %lt3A_304 = arith.constant 0 : i32
      %lt3A_305 = arith.cmpi slt, %select_n3A_298, %lt3A_304 : i32
      %ne3A_306 = arith.xori %lt3A_303, %lt3A_305 : i1
      %and3A_307 = arith.andi %ne3A_306, %ne3A_301 : i1
      %add3A_308 = arith.addi %rem3A_299, %select_n3A_298 : i32
      %select_n3A_309 = arith.select %and3A_307, %add3A_308, %rem3A_299 : i32
      %eq3A_310 = arith.constant 0 : i32
      %eq3A_311 = arith.cmpi eq, %select_n3A_309, %eq3A_310 : i32
      %select_n3A_312 = arith.select %eq3A_311, %broadcast_in_dim3A_3, %select_n3A_172 : vector<16xf32>
      %select_n3A_313 = arith.select %eq3A_311, %broadcast_in_dim3A_3, %select_n3A_173 : vector<16xf32>
      %broadcast_in_dim3A_314 = arith.constant 0 : i32
      %broadcast_in_dim3A_315 = vector.broadcast %broadcast_in_dim3A_314 : i32 to vector<16xi32>
      %jit3A_316 = arith.constant 16 : i32
      %div3A_317 = arith.divsi %add3A_55, %jit3A_316 : i32
      %sign3A_318 = arith.constant 0 : i32
      %sign3A_319 = arith.cmpi sgt, %add3A_55, %sign3A_318 : i32
      %sign3A_320 = arith.extui %sign3A_319 : i1 to i32
      %sign3A_321 = arith.constant 0 : i32
      %sign3A_322 = arith.cmpi slt, %add3A_55, %sign3A_321 : i32
      %sign3A_323 = arith.extui %sign3A_322 : i1 to i32
      %sign3A_324 = arith.subi %sign3A_320, %sign3A_323 : i32
      %sign3A_325 = arith.constant 0 : i32
      %sign3A_326 = arith.cmpi sgt, %jit3A_316, %sign3A_325 : i32
      %sign3A_327 = arith.extui %sign3A_326 : i1 to i32
      %sign3A_328 = arith.constant 0 : i32
      %sign3A_329 = arith.cmpi slt, %jit3A_316, %sign3A_328 : i32
      %sign3A_330 = arith.extui %sign3A_329 : i1 to i32
      %sign3A_331 = arith.subi %sign3A_327, %sign3A_330 : i32
      %ne3A_332 = arith.cmpi ne, %sign3A_324, %sign3A_331 : i32
      %rem3A_333 = arith.remsi %add3A_55, %jit3A_316 : i32
      %ne3A_334 = arith.constant 0 : i32
      %ne3A_335 = arith.cmpi ne, %rem3A_333, %ne3A_334 : i32
      %and3A_336 = arith.andi %ne3A_332, %ne3A_335 : i1
      %sub3A_337 = arith.constant 1 : i32
      %sub3A_338 = arith.subi %div3A_317, %sub3A_337 : i32
      %select_n3A_339 = arith.select %and3A_336, %sub3A_338, %div3A_317 : i32
      %mul3A_340 = arith.constant 32 : i32
      %mul3A_341 = arith.muli %select_n3A_339, %mul3A_340 : i32
      %add3A_342 = arith.addi %mul3A_2, %mul3A_341 : i32
      %jit3A_343 = arith.constant 16 : i32
      %eq3A_344 = arith.constant 0 : i32
      %eq3A_345 = arith.cmpi eq, %jit3A_343, %eq3A_344 : i32
      %jit3A_346 = arith.constant 1 : i32
      %select_n3A_347 = arith.select %eq3A_345, %jit3A_346, %jit3A_343 : i32
      %rem3A_348 = arith.remsi %add3A_55, %select_n3A_347 : i32
      %ne3A_349 = arith.constant 0 : i32
      %ne3A_350 = arith.cmpi ne, %rem3A_348, %ne3A_349 : i32
      %lt3A_351 = arith.constant 0 : i32
      %lt3A_352 = arith.cmpi slt, %rem3A_348, %lt3A_351 : i32
      %lt3A_353 = arith.constant 0 : i32
      %lt3A_354 = arith.cmpi slt, %select_n3A_347, %lt3A_353 : i32
      %ne3A_355 = arith.xori %lt3A_352, %lt3A_354 : i1
      %and3A_356 = arith.andi %ne3A_355, %ne3A_350 : i1
      %add3A_357 = arith.addi %rem3A_348, %select_n3A_347 : i32
      %select_n3A_358 = arith.select %and3A_356, %add3A_357, %rem3A_348 : i32
      %mul3A_359 = arith.constant 512 : i32
      %mul3A_360 = arith.muli %select_n3A_358, %mul3A_359 : i32
      %dma_start3A_361 = arith.constant 0 : i32
      %dma_start3A_362 = arith.constant 0 : i32
      %dma_start3A_363 = tpu.memref_slice %arg7[%dma_start3A_361, %dma_start3A_362] : memref<32x513xf32, #tpu.memory_space<vmem>> -> memref<32x512xf32, #tpu.memory_space<vmem>>
      %dma_start3A_364 = tpu.memref_slice %arg3[%add3A_342, %mul3A_360] : memref<4096x8192xf32, #tpu.memory_space<hbm>> -> memref<32x512xf32, #tpu.memory_space<hbm>>
      %dma_start3A_365 = tpu.memref_slice %arg3[%add3A_342, %mul3A_360] : memref<4096x8192xf32, #tpu.memory_space<hbm>> -> memref<32x512xf32, #tpu.memory_space<hbm>>
      %dma_start3A_366 = arith.constant 0 : i32
      %dma_start3A_367 = arith.constant 0 : i32
      %dma_start3A_368 = tpu.memref_slice %arg7[%dma_start3A_366, %dma_start3A_367] : memref<32x513xf32, #tpu.memory_space<vmem>> -> memref<32x512xf32, #tpu.memory_space<vmem>>
      tpu.enqueue_dma source(%dma_start3A_368 : memref<32x512xf32, #tpu.memory_space<vmem>>) target(%dma_start3A_365 : memref<32x512xf32, #tpu.memory_space<hbm>>) target_semaphore(%arg11 : memref<!tpu.dma_semaphore, #tpu.memory_space<semaphore_mem>>)
      scf.yield %select_n3A_312, %select_n3A_313 : vector<16xf32>, vector<16xf32>
    }
    %scan3A_25 = arith.constant 32 : i32
    %add3A_26 = arith.constant 96 : i32
    %add3A_27 = arith.addi %mul3A_2, %add3A_26 : i32
    %dma_wait3A = arith.constant 0 : i32
    %dma_wait3A_28 = arith.constant 0 : i32
    %dma_wait3A_29 = tpu.memref_slice %arg6[%dma_wait3A, %dma_wait3A_28] : memref<32x513xf32, #tpu.memory_space<vmem>> -> memref<32x512xf32, #tpu.memory_space<vmem>>
    %dma_wait3A_30 = arith.constant 7168 : i32
    %dma_wait3A_31 = tpu.memref_slice %arg3[%add3A_27, %dma_wait3A_30] : memref<4096x8192xf32, #tpu.memory_space<hbm>> -> memref<32x512xf32, #tpu.memory_space<hbm>>
    %dma_wait3A_32 = arith.constant 7168 : i32
    %dma_wait3A_33 = tpu.memref_slice %arg3[%add3A_27, %dma_wait3A_32] : memref<4096x8192xf32, #tpu.memory_space<hbm>> -> memref<32x512xf32, #tpu.memory_space<hbm>>
    %dma_wait3A_34 = arith.constant 0 : i32
    %dma_wait3A_35 = arith.constant 0 : i32
    %dma_wait3A_36 = tpu.memref_slice %arg6[%dma_wait3A_34, %dma_wait3A_35] : memref<32x513xf32, #tpu.memory_space<vmem>> -> memref<32x512xf32, #tpu.memory_space<vmem>>
    tpu.wait_dma2 semaphore(%arg10 : memref<!tpu.dma_semaphore, #tpu.memory_space<semaphore_mem>>) src(%dma_wait3A_36 : memref<32x512xf32, #tpu.memory_space<vmem>>) dst(%dma_wait3A_33 : memref<32x512xf32, #tpu.memory_space<hbm>>)
    %add3A_37 = arith.constant 96 : i32
    %add3A_38 = arith.addi %mul3A_2, %add3A_37 : i32
    %dma_wait3A_39 = arith.constant 0 : i32
    %dma_wait3A_40 = arith.constant 0 : i32
    %dma_wait3A_41 = tpu.memref_slice %arg7[%dma_wait3A_39, %dma_wait3A_40] : memref<32x513xf32, #tpu.memory_space<vmem>> -> memref<32x512xf32, #tpu.memory_space<vmem>>
    %dma_wait3A_42 = arith.constant 7680 : i32
    %dma_wait3A_43 = tpu.memref_slice %arg3[%add3A_38, %dma_wait3A_42] : memref<4096x8192xf32, #tpu.memory_space<hbm>> -> memref<32x512xf32, #tpu.memory_space<hbm>>
    %dma_wait3A_44 = arith.constant 7680 : i32
    %dma_wait3A_45 = tpu.memref_slice %arg3[%add3A_38, %dma_wait3A_44] : memref<4096x8192xf32, #tpu.memory_space<hbm>> -> memref<32x512xf32, #tpu.memory_space<hbm>>
    %dma_wait3A_46 = arith.constant 0 : i32
    %dma_wait3A_47 = arith.constant 0 : i32
    %dma_wait3A_48 = tpu.memref_slice %arg7[%dma_wait3A_46, %dma_wait3A_47] : memref<32x513xf32, #tpu.memory_space<vmem>> -> memref<32x512xf32, #tpu.memory_space<vmem>>
    tpu.wait_dma2 semaphore(%arg11 : memref<!tpu.dma_semaphore, #tpu.memory_space<semaphore_mem>>) src(%dma_wait3A_48 : memref<32x512xf32, #tpu.memory_space<vmem>>) dst(%dma_wait3A_45 : memref<32x512xf32, #tpu.memory_space<hbm>>)
    return
  }
}

</mosaic_0001>

<sc_bundles>
// kernel: kernel.3.cloned.1.call-start
scs
__scs_entry_jumppad:
0x0: {  	(pc) =	sbr.rel $0x88, $3  }
0x1: {  	(tag) =	ssettag $0x0;
	lr =	simm.s32 $0x1  }
0x2: {  	[smem:$0x3FA0] =	sst lr;
	_ =	strace $0xD0000000  }
0x3: {  	_ = 	snop  }
0x4: {  	_ = 	snop  }
0x5: {  	_ = 	snop  }
0x6: {  	_ = 	snop  }
0x7: {  	_ = 	snop  }
__scs_overlays_trampoline_lowered:
0x8: {  	[smem:$0x3FAF] =	sst s0  }
0x9: {  	[smem:$0x3FB0] =	sst s1  }
0xa: {  	[smem:$0x3FB1] =	sst s2  }
0xb: {  	[smem:$0x3FB2] =	sst s3  }
0xc: {  	[smem:$0x3FB3] =	sst s4  }
0xd: {  	[smem:$0x3FB4] =	sst s5  }
0xe: {  	[smem:$0x3FB5] =	sst s6  }
0xf: {  	[smem:$0x3FB6] =	sst s7  }
0x10: {  	[smem:$0x3FB7] =	sst s8  }
0x11: {  	[smem:$0x3FB8] =	sst s9;
	s0 =	simm.s32 @!p0 $0x0  }
0x12: {  	s1 =	sld [smem:$0x3F9E];
	s0 =	simm.s32 @p0 $0x1  }
0x13: {  	[smem:$0x3FB9] =	sst s0;
	s0 =	simm.s32 @!p1 $0x0  }
0x14: {  	s2 =	sld [smem:$0x3F9D];
	s0 =	simm.s32 @p1 $0x1  }
0x15: {  	[smem:$0x3FBA] =	sst s0;
	s0 =	simm.s32 @!p2 $0x0  }
0x16: {  	s3 =	sld [smem:$0x3FDB];
	s0 =	simm.s32 @p2 $0x1  }
0x17: {  	s4 =	simm.s32 $0x1BF5;
	[smem:$0x3FBC] =	sst s0  }
0x18: {  	s0 =	sld [smem:$0x3F9F];
	_ =	swait.ge [sflag:s4], $0x0  }
0x19: {  	s7 =	sld [smem:$0x3FA0]  }
0x1a: {  	s8 =	sadd.s32 $0xFFFFE003, lr  }
0x1b: {  	s9 =	sadd.s32 $0xFFFFFEF7, lr;
	s5 =	simm.s32 $0xFFFFFFFF;
	p2 =	slt.u32 s8, $0xFFFFF086  }
0x1c: {  	p1 =	slt.u32 s9, $0xF7A;
	s5 =	simm.s32 @!p2 $0x0  }
0x1d: {  	s5 =	simm.s32 @p1 $0x1;
	p0 =	seq.s32 s7, s2  }
0x1e: {  	s7 =	smul.u32 @!p0 $0xF7A, s2;
	p2 =	seq.s32 @!p0 s5, $0x0  }
0x1f: {  	s9 =	smul.u32 $0xF7A, s1;
	s8 =	simm.s32 @!p0 $0x1BF5;
	p2 =	por !p2, p0  }
0x20: {  	[sflag:s8] =	ssyncset.s32 @!p0 $0xFFFFF086;
	s6 =	sadd.s32 @!p0 s3, s7;
	s7 =	simm.s32 @!p0 $0x108  }
0x21: {  	s3 =	sadd.s32 s3, s9;
	s6 =	sadd.s32 @!p0 $0x88, s6;
	s7 =	simm.s32 @p2 $0x1082  }
0x22: {  	[simem:s7], [sflag:s8] =	dma.local @!p0 [hbm:s6], $0xF7A  }
0x23: {  	s9 =	sor.u32 $0xD0000000, s2;
	s6 =	simm.s32 $0x108;
	_ =	swait.ge @!p0 [sflag:s8], $0x0  }
0x24: {  	s3 =	sadd.s32 $0x88, s3;
	s6 =	simm.s32 @!p1 $0x1082;
	[sflag:s4] =	ssyncset.s32 $0xFFFFF086  }
0x25: {  	[simem:s6], [sflag:s4] =	dma.local [hbm:s3], $0xF7A  }
0x26: {  	[smem:$0x3FA0] =	sst s1;
	(tag) =	ssettag s2;
	_ =	strace s9  }
0x27: {  	s1 =	sld [smem:$0x3FB0]  }
0x28: {  	s2 =	sld [smem:$0x3FB1]  }
0x29: {  	s4 =	sld [smem:$0x3FB3]  }
0x2a: {  	p0 =	seq.s32 s5, $0x0;
	s5 =	sld [smem:$0x3FB4]  }
0x2b: {  	s6 =	sld [smem:$0x3FB5]  }
0x2c: {  	s7 =	sld [smem:$0x3FB6]  }
0x2d: {  	s3 =	simm.s32 $0x108;
	s8 =	sld [smem:$0x3FB7]  }
0x2e: {  	s3 =	simm.s32 @!p0 $0x1082;
	s9 =	sld [smem:$0x3FB8]  }
0x2f: {  	lr =	sadd.s32 s0, s3;
	s0 =	sld [smem:$0x3FAF]  }
0x30: {  	s3 =	sld [smem:$0x3FB2]  }
0x31: {  	[smem:$0x3FBB] =	sst s10  }
0x32: {  	s10 =	sld [smem:$0x3FB9];
	_ =	sdelay $0x3  }
0x33: {  	p0 =	seq.s32 s10, $0x1;
	s10 =	sld [smem:$0x3FBB];
	_ =	sdelay $0x3  }
0x34: {  	[smem:$0x3FBB] =	sst s10  }
0x35: {  	s10 =	sld [smem:$0x3FBA];
	_ =	sdelay $0x3  }
0x36: {  	p1 =	seq.s32 s10, $0x1;
	s10 =	sld [smem:$0x3FBB];
	_ =	sdelay $0x3  }
0x37: {  	[smem:$0x3FBB] =	sst s10  }
0x38: {  	s10 =	sld [smem:$0x3FBC]  }
0x39: {  	_ = 	snop;
	(pc) =	sbr.ind lr, $3  }
0x3a: {  	_ = 	snop  }
0x3b: {  	_ = 	snop  }
0x3c: {  	p2 =	seq.s32 s10, $0x1;
	s10 =	sld [smem:$0x3FBB]  }
0x3d: {  	_ =	shalt  }
0x3e: {  	_ =	shalt  }
0x3f: {  	_ =	shalt  }
0x40: {  	_ =	shalt  }
0x41: {  	_ =	shalt  }
0x42: {  	_ =	shalt  }
0x43: {  	_ =	shalt  }
0x44: {  	_ =	shalt  }
0x45: {  	_ =	shalt  }
0x46: {  	_ =	shalt  }
0x47: {  	_ =	shalt  }
0x48: {  	_ =	shalt  }
0x49: {  	_ =	shalt  }
0x4a: {  	_ =	shalt  }
0x4b: {  	_ =	shalt  }
0x4c: {  	_ =	shalt  }
0x4d: {  	_ =	shalt  }
0x4e: {  	_ =	shalt  }
0x4f: {  	_ =	shalt  }
0x50: {  	_ =	shalt  }
0x51: {  	_ =	shalt  }
0x52: {  	_ =	shalt  }
0x53: {  	_ =	shalt  }
0x54: {  	_ =	shalt  }
0x55: {  	_ =	shalt  }
0x56: {  	_ =	shalt  }
0x57: {  	_ =	shalt  }
0x58: {  	_ =	shalt  }
0x59: {  	_ =	shalt  }
0x5a: {  	_ =	shalt  }
0x5b: {  	_ =	shalt  }
0x5c: {  	_ =	shalt  }
0x5d: {  	_ =	shalt  }
0x5e: {  	_ =	shalt  }
0x5f: {  	_ =	shalt  }
0x60: {  	_ =	shalt  }
0x61: {  	_ =	shalt  }
0x62: {  	_ =	shalt  }
0x63: {  	_ =	shalt  }
0x64: {  	_ =	shalt  }
0x65: {  	_ =	shalt  }
0x66: {  	_ =	shalt  }
0x67: {  	_ =	shalt  }
0x68: {  	_ =	shalt  }
0x69: {  	_ =	shalt  }
0x6a: {  	_ =	shalt  }
0x6b: {  	_ =	shalt  }
0x6c: {  	_ =	shalt  }
0x6d: {  	_ =	shalt  }
0x6e: {  	_ =	shalt  }
0x6f: {  	_ =	shalt  }
0x70: {  	_ =	shalt  }
0x71: {  	_ =	shalt  }
0x72: {  	_ =	shalt  }
0x73: {  	_ =	shalt  }
0x74: {  	_ =	shalt  }
0x75: {  	_ =	shalt  }
0x76: {  	_ =	shalt  }
0x77: {  	_ =	shalt  }
0x78: {  	_ =	shalt  }
0x79: {  	_ =	shalt  }
0x7a: {  	_ =	shalt  }
0x7b: {  	_ =	shalt  }
0x7c: {  	_ =	shalt  }
0x7d: {  	_ =	shalt  }
0x7e: {  	_ =	shalt  }
0x7f: {  	_ =	shalt  }
0x80: {  	_ =	shalt  }
0x81: {  	_ =	shalt  }
0x82: {  	_ =	shalt  }
0x83: {  	_ =	shalt  }
0x84: {  	_ =	shalt  }
0x85: {  	_ =	shalt  }
0x86: {  	_ =	shalt  }
0x87: {  	_ =	shalt  }
.Lfunc_end0:
.L_simem_size_0:
called_computation.1_lowered:
.L_overlay_start_0:
0x88: {  	s2 =	sld [smem:$0x3FD9]  }
0x89: {  	s3 =	sld [smem:$0x3FFE];
	_ =	sdelay $0x1  }
0x8a: {  	s1 =	srdreg.scid  }
0x8b: {  	s0 =	sand.u32 $0x1, s1  }
0x8c: {  	s17 =	sshll.u32 s0, $0xA;
	s2 =	sadd.s32 s3, s2  }
0x8d: {  	s2 =	sadd.s32 s2, s17  }
0x8e: {  	[smem:$0x3FC7] =	sst s2  }
0x8f: {  	_ = 	snop  }
0x90: {  	s2 =	sld [smem:$0x3FD0];
	(tm) =	ssettm $0x1  }
0x91: {  	s18 =	sld [smem:$0x3FFB];
	_ =	sdelay $0x3  }
0x92: {  	_ =	strace s18  }
0x93: {  	s3 =	sld [smem:$0x3FFC];
	_ =	sdelay $0x3  }
0x94: {  	_ =	strace s3  }
0x95: {  	s3 =	sld [smem:$0x3FFD];
	_ =	sdelay $0x3  }
0x96: {  	_ =	strace s3  }
0x97: {  	_ =	strace $0x8FFFFFFF  }
0x98: {  	s19 =	sld [smem:$0x3FDB];
	_ =	sdelay $0x1  }
0x99: {  	s4 =	simm.s32 $_scs_section_size  }
0x9a: {  	s5 =	simm.s32 $_size__tile_overlayer_lowered;
	s6 =	simm.s32 $_tile_overlayer_lowered  }
0x9b: {  	s22 =	simm.s32 $0x1BFF;
	s21 =	sshll.u32 s6, $0x1;
	s3 =	sadd.s32 s4, s19  }
0x9c: {  	s7 =	simm.s32 $0x0;
	s20 =	sshll.u32 s5, $0x1;
	s5 =	sadd.s32 s21, s3  }
0x9d: {  	[timem:s7], [sflag:s22] =	dma.local [hbm:s5], s20  }
0x9e: {  	_ =	swait.ge [sflag:s22], s20  }
0x9f: {  	s4 =	ssub.s32 $0x0, s20;
	[sflag:s22] =	ssyncset.done $0x0  }
0xa0: {  	[sflag:s22] =	ssyncadd.s32 s4;
	_ =	sdelay $0x1  }
0xa1: {  	s23 =	simm.s32 $0x1B8B  }
0xa2: {  	_ =	swait.ge [sflag:s23], $0x1  }
0xa3: {  	[sflag:s23] =	ssyncset.done $0x0  }
0xa4: {  	s25 =	simm.s32 $0x1B8E;
	s24 =	sld [smem:$0x3FFE];
	[sflag:s23] =	ssyncadd.s32 $0xFFFFFFFF  }
0xa5: {  	s26 =	simm.s32 $execute0_lowered;
	[smem:$0x3FD2] =	sst s25  }
0xa6: {  	s5 =	sshll.u32 s26, $0x1;
	_ =	strace $0x80000049;
	[dreg:$0x1] =	wrdreg $0xFFFFFFFF  }
0xa7: {  	s28 =	simm.s32 $_size_execute0_lowered;
	s3 =	sadd.s32 s3, s5;
	[dreg:$0x0] =	wrdreg $0x0  }
0xa8: {  	s5 =	sshll.u32 s28, $0x1;
	[dreg:$0x2] =	wrdreg s3  }
0xa9: {  	[dreg:$0x3] =	wrdreg s5  }
0xaa: {  	[dreg:$0x4] =	wrdreg $0xC0  }
0xab: {  	_ =	task [dreg:s7], $0x5FFFF  }
0xac: {  	[dreg:$0x1] =	wrdreg $0xFFFFFFFF  }
0xad: {  	[dreg:$0x0] =	wrdreg $0x60  }
0xae: {  	[dreg:$0x2] =	wrdreg s2  }
0xaf: {  	[dreg:$0x3] =	wrdreg s24  }
0xb0: {  	[dreg:$0x4] =	wrdreg $0x9  }
0xb1: {  	_ =	task.clear_ibuf [dreg:s7], $0x5FFFF;
	_ =	strace $0x90000049  }
0xb2: {  	s29 =	simm.s32 $0x9;
	_ =	strace $0x8000004B  }
0xb3: {  	_ =	swait.ge [sflag:s29], $0x1  }
0xb4: {  	[sflag:s29] =	ssyncadd.s32 $0xFFFFFFFF  }
0xb5: {  	_ =	strace $0x9000004B  }
0xb6: {  	_ =	sfence  }
0xb7: {  	s30 =	sld [smem:$0x0];
	_ =	sdelay $0x2  }
0xb8: {  	s31 =	sshll.u32 s1, $0xD;
	s1 =	sshrl.u32 s1, $0x2  }
0xb9: {  	s3 =	sand.u32 $0x4000, s31;
	s1 =	sadd.s32 s1, s30  }
0xba: {  	s0 =	sor.u32 s3, s0;
	s1 =	sshll.u32 s1, $0x11  }
0xbb: {  	s0 =	sor.u32 s1, s0  }
0xbc: {  	s0 =	sadd.s32 $0x8F2B, s0  }
0xbd: {  	[sflag:s0] =	ssyncadd.remote.s32 $0x1  }
0xbe: {  	_ =	sfence.sel $0xFFFF  }
0xbf: {  	[dreg:$0x0] =	wrdreg $0xFFFFFFFF;
	(pc) =	sbr.abs _section_cstart, $3  }
0xc0: {  	[dreg:$0x1] =	wrdreg $0xFFFFFFFF  }
0xc1: {  	_ =	task.clear_ibuf [dreg:s7], $0x2FFFF;
	_ =	strace $0x9FFFFFFF  }
0xc2: {  	(tm) =	ssettm $0x7FFFFFFF  }
0xc3: {  	_ =	shalt  }
tec
execute0_lowered:
.L_overlay_start_1:
0x0: {  	(tag) =	ssettag $0x1  }
0x1: {  	s1 =	rddreg [dreg:$0x0]  }
0x2: {  	s5 =	rddreg [dreg:$0x1]  }
0x3: {  	s0 =	rddreg [dreg:$0x2];
	s3 =	simm.s32 $0x0;
	s4 =	srdreg.scid  }
0x4: {  	s2 =	stileid.u32;
	s9 =	simm.s32 $0x2;
	s10 =	simm.s32 $0x4  }
0x5: {  	s11 =	simm.s32 $0x3;
	s12 =	simm.s32 $0x0;
	s4 =	sand.u32 $0x1, s4  }
0x6: {  	[smem:$0x7FF] =	sst s3;
	s7 =	sshll.u32 s2, $0x12;
	s6 =	ssub.s32 $0x2, s4  }
0x7: {  	s5 =	sadd.s32 $0x800, s5;
	s4 =	sshll.u32 s4, $0x11;
	s8 =	sshrl.u32 s6, $0x1  }
0x8: {  	_ =	strace $0x8000004A;
	s4 =	sor.u32 s4, s7;
	s31 =	ssub.s32 s6, s8  }
0x9: {  	s6 =	sadd.s32 s1, s4;
	s8 =	simm.s32 $0x1;
	s7 =	smax.u32 s31, $0x1  }
.LBB2_1:
0xa: {  	s13 =	sadd.s32 $0x0, s6;
	s14 =	simm.s32 $0x400;
	s15 =	simm.s32 $0x0  }
0xb: {  	[tilespmem:s3], [sflag:$0x1] =	stream.linear.gather [hbm4b:s13+s3], $0x200, $0x38;
	[tilespmem:$0x10400] =	vst v63  }
.LBB2_2:
0xc: {  	p0 =	seq.s32 s14, $0x7C00  }
.Ltmp0:
0xd: {  	_ = 	snop;
	(pc) =	sbr.rel @!p0 .LBB2_2-.Ltmp0, $4  }
0xe: {  	_ = 	snop  }
0xf: {  	s16 =	sadd.s32 s14, s6;
	s15 =	sadd.s32 $0x208, s15  }
0x10: {  	s13 =	simm.s32 $0x0;
	s14 =	sadd.s32 $0x400, s14  }
0x11: {  	[tilespmem:s15], [sflag:$0x1] =	stream.linear.gather [hbm4b:s16+s13], $0x200, $0x38;
	[tilespmem:$0x10400] =	vst v63  }
.LBB2_4:
0x12: {  	s14 =	sshll.u32 s13, $0xC  }
0x13: {  	s16 =	sshll.u32 s13, $0x7;
	s14 =	sand.u32 $0x18000, s14  }
0x14: {  	s16 =	sand.u32 $0x380, s16;
	s15 =	sor.u32 s4, s14  }
0x15: {  	s14 =	sor.u32 s16, s15  }
0x16: {  	_ =	swait.ge [sflag:s8], $0x4000;
	s18 =	simm.s32 $0x4100;
	s14 =	sor.u32 $0x40, s14  }
0x17: {  	s19 =	simm.s32 $0x400;
	[sflag:s8] =	ssyncset.done $0x0;
	s17 =	sadd.s32 s1, s14  }
0x18: {  	s20 =	simm.s32 $0x4308;
	[sflag:s8] =	ssyncadd.s32 $0xFFFFC000;
	s21 =	sadd.s32 $0x0, s17  }
.LBB2_5:
0x19: {  	[tilespmem:s18], [sflag:$0x2] =	stream.linear.gather [hbm4b:s21+s3], $0x200, $0x38;
	[tilespmem:$0x10400] =	vst v63  }
0x1a: {  	s21 =	smov.u32 s19;
	s18 =	smov.u32 s20;
	p0 =	sne.s32 s19, $0x7C00  }
.Ltmp1:
0x1b: {  	s19 =	sadd.s32 $0x400, s19;
	(pc) =	sbr.rel @p0 .LBB2_5-.Ltmp1, $2  }
0x1c: {  	_ =	sdelay $0x2  }
0x1d: {  	s20 =	sadd.s32 $0x208, s20;
	s21 =	sadd.s32 s21, s17  }
0x1e: {  	[tilespmem:s18], [sflag:$0x2] =	stream.linear.gather [hbm4b:s21+s3], $0x200, $0x38;
	[tilespmem:$0x10400] =	vst v63  }
0x1f: {  	p0 =	seq.s32 s13, $0x0  }
0x20: {  	s17 =	sshll.u32 s13, $0x1;
	s18 =	simm.s32 @!p0 $0x3  }
0x21: {  	s16 =	sadd.s32 s5, s16;
	s19 =	simm.s32 $0x8408;
	_ =	swait.ge @!p0 [sflag:s18], $0x4000  }
0x22: {  	s15 =	sadd.s32 s15, s16;
	s16 =	simm.s32 $0x8200;
	[sflag:s18] =	ssyncset.done @!p0 $0x0  }
0x23: {  	s20 =	sadd.s32 $0x0, s15;
	[sflag:s18] =	ssyncadd.s32 @!p0 $0xFFFFC000;
	s18 =	simm.s32 $0x400  }
.LBB2_7:
0x24: {  	[hbm4b:s20+s3] =	stream.linear.scatter [tilespmem:s16], [sflag:$0x3], $0x200, $0x38;
	[tilespmem:$0x10400] =	vst v63  }
0x25: {  	s20 =	smov.u32 s18;
	s16 =	smov.u32 s19;
	p1 =	sne.s32 s18, $0x7C00  }
.Ltmp2:
0x26: {  	s18 =	sadd.s32 $0x400, s18;
	(pc) =	sbr.rel @p1 .LBB2_7-.Ltmp2, $2  }
0x27: {  	_ =	sdelay $0x2  }
0x28: {  	s19 =	sadd.s32 $0x208, s19;
	s20 =	sadd.s32 s20, s15  }
0x29: {  	p1 =	seq.s32 s13, $0x1F  }
.Ltmp3:
0x2a: {  	_ = 	snop;
	(pc) =	sbr.rel @p1 .LBB2_12-.Ltmp3, $4  }
0x2b: {  	[hbm4b:s20+s3] =	stream.linear.scatter [tilespmem:s16], [sflag:$0x3], $0x200, $0x38;
	[tilespmem:$0x10400] =	vst v63  }
0x2c: {  	_ =	swait.ge [sflag:s9], $0x4000  }
0x2d: {  	[sflag:s9] =	ssyncset.done $0x0  }
0x2e: {  	[sflag:s9] =	ssyncadd.s32 $0xFFFFC000  }
0x2f: {  	s15 =	sadd.s32 $0x2, s17  }
0x30: {  	s16 =	sshll.u32 s15, $0xB  }
0x31: {  	s15 =	sshll.u32 s15, $0x6;
	s16 =	sand.u32 $0x38000, s16  }
0x32: {  	s15 =	sand.u32 $0x380, s15;
	s16 =	sadd.s32 s16, s6  }
0x33: {  	s17 =	simm.s32 $0x400;
	s15 =	sadd.s32 s15, s16  }
0x34: {  	s18 =	simm.s32 $0x208;
	s16 =	simm.s32 $0x0;
	s19 =	sadd.s32 $0x0, s15  }
.LBB2_10:
0x35: {  	[tilespmem:s16], [sflag:$0x1] =	stream.linear.gather [hbm4b:s19+s3], $0x200, $0x38;
	[tilespmem:$0x10400] =	vst v63  }
0x36: {  	s19 =	smov.u32 s17;
	s16 =	smov.u32 s18;
	p1 =	sne.s32 s17, $0x7C00  }
.Ltmp4:
0x37: {  	s17 =	sadd.s32 $0x400, s17;
	(pc) =	sbr.rel @p1 .LBB2_10-.Ltmp4, $2  }
0x38: {  	_ =	sdelay $0x2  }
0x39: {  	s18 =	sadd.s32 $0x208, s18;
	s19 =	sadd.s32 s19, s15  }
.Ltmp5:
0x3a: {  	(pc) =	sbr.rel @p0 .LBB2_13-.Ltmp5, $2  }
0x3b: {  	_ =	sdelay $0x2  }
0x3c: {  	[tilespmem:s16], [sflag:$0x1] =	stream.linear.gather [hbm4b:s19+s3], $0x200, $0x38;
	[tilespmem:$0x10400] =	vst v63  }
.LBB2_12:
0x3d: {  	_ =	swait.ge [sflag:s10], $0x4000  }
0x3e: {  	[sflag:s10] =	ssyncset.done $0x0  }
0x3f: {  	[sflag:s10] =	ssyncadd.s32 $0xFFFFC000  }
.LBB2_13:
0x40: {  	s13 =	sadd.s32 $0x1, s13;
	s14 =	sadd.s32 s5, s14;
	s15 =	simm.s32 $0xC300  }
0x41: {  	s16 =	simm.s32 $0x400;
	s17 =	simm.s32 $0xC508;
	s18 =	sadd.s32 $0x0, s14  }
.LBB2_14:
0x42: {  	[hbm4b:s18+s3] =	stream.linear.scatter [tilespmem:s15], [sflag:$0x4], $0x200, $0x38;
	[tilespmem:$0x10400] =	vst v63  }
0x43: {  	s18 =	smov.u32 s16;
	s15 =	smov.u32 s17;
	p0 =	seq.s32 s16, $0x7C00  }
.Ltmp6:
0x44: {  	s16 =	sadd.s32 $0x400, s16;
	(pc) =	sbr.rel @!p0 .LBB2_14-.Ltmp6, $2  }
0x45: {  	_ =	sdelay $0x2  }
0x46: {  	s17 =	sadd.s32 $0x208, s17;
	s18 =	sadd.s32 s18, s14  }
0x47: {  	[hbm4b:s18+s3] =	stream.linear.scatter [tilespmem:s15], [sflag:$0x4], $0x200, $0x38;
	[tilespmem:$0x10400] =	vst v63  }
0x48: {  	p0 =	seq.s32 s13, $0x20  }
.Ltmp7:
0x49: {  	_ = 	snop;
	(pc) =	sbr.rel @!p0 .LBB2_4-.Ltmp7, $1  }
0x4a: {  	_ =	sdelay $0x3  }
0x4b: {  	s12 =	sadd.s32 $0x1, s12  }
0x4c: {  	_ =	swait.ge [sflag:s11], $0x4000;
	p0 =	sne.s32 s12, s7  }
.Ltmp8:
0x4d: {  	[sflag:s11] =	ssyncset.done $0x0;
	(pc) =	sbr.rel @p0 .LBB2_1-.Ltmp8, $4  }
0x4e: {  	[sflag:s11] =	ssyncadd.s32 $0xFFFFC000  }
0x4f: {  	_ =	swait.ge [sflag:s10], $0x4000  }
0x50: {  	[sflag:s10] =	ssyncset.done $0x0  }
0x51: {  	[sflag:s10] =	ssyncadd.s32 $0xFFFFC000  }
0x52: {  	_ =	sfence.sel $0x180000  }
0x53: {  	[bflag:$0x0] =	sbarrier.arrive $0xFFFF  }
0x54: {  	p0 =	sne.s32 s2, $0x0;
	_ =	strace $0x9000004A  }
0x55: {  	s0 =	sadd.s32 @!p0 $0x100000, s0;
	[bflag:$0x2] =	sbarrier.arrive $0xFFFF  }
0x56: {  	[sflag:s0] =	ssyncadd.tile.s32 @!p0 $0x1;
	_ =	shalt  }
.Lfunc_end2:
_tile_overlayer_lowered:
.L_overlay_start_2:
0x57: {  	(tag) =	ssettag $0x2  }
0x58: {  	s0 =	rddreg [dreg:$0x0];
	s2 =	stileid.u32  }
0x59: {  	s1 =	rddreg [dreg:$0x1];
	p0 =	sne.s32 s2, $0x0  }
0x5a: {  	s3 =	rddreg [dreg:$0x2];
	[bflag:$0x3] =	sbarrier.arrive $0xFFFF;
	s2 =	simm.s32 @!p0 $0x1C05  }
0x5b: {  	[timem:s3], [sflag:s2] =	dma.local @!p0 [hbm:s0], s1  }
0x5c: {  	s0 =	simm.s32 @!p0 $0x5  }
0x5d: {  	_ =	swait.ge @!p0 [sflag:s0], s1  }
0x5e: {  	s1 =	ssub.s32 @!p0 $0x0, s1;
	[sflag:s0] =	ssyncset.done @!p0 $0x0  }
0x5f: {  	[sflag:s0] =	ssyncadd.s32 @!p0 s1  }
0x60: {  	[bflag:$0x3] =	sbarrier.arrive $0xFFFF  }
0x61: {  	_ =	shalt  }

// kernel: sparse-core-data-format-call.cloned.1.call-start
scs
called_computation_lowered:
.L_overlay_start_0:
0x0: {  	s2 =	sld [smem:$0x3FD9]  }
0x1: {  	s3 =	sld [smem:$0x3FFE];
	_ =	sdelay $0x1  }
0x2: {  	s1 =	srdreg.scid  }
0x3: {  	s0 =	sand.u32 $0x1, s1  }
0x4: {  	s19 =	sshll.u32 s0, $0xA;
	s2 =	sadd.s32 s3, s2  }
0x5: {  	s2 =	sadd.s32 s2, s19  }
0x6: {  	[smem:$0x3FC7] =	sst s2  }
0x7: {  	_ = 	snop  }
0x8: {  	s2 =	sld [smem:$0x3FC9]  }
0x9: {  	s20 =	sld [smem:$0x3FD0];
	(tm) =	ssettm $0x1  }
0xa: {  	s4 =	sld [smem:$0x3FFB];
	_ =	sdelay $0x3  }
0xb: {  	_ =	strace s4  }
0xc: {  	s4 =	sld [smem:$0x3FFC];
	_ =	sdelay $0x3  }
0xd: {  	_ =	strace s4  }
0xe: {  	s4 =	sld [smem:$0x3FFD];
	_ =	sdelay $0x3  }
0xf: {  	_ =	strace s4  }
0x10: {  	_ =	strace $0x8FFFFFFF  }
0x11: {  	s21 =	sld [smem:$0x3FDB];
	_ =	sdelay $0x1  }
0x12: {  	s5 =	simm.s32 $_scs_section_size  }
0x13: {  	s6 =	simm.s32 $_size__tile_overlayer_lowered;
	s7 =	simm.s32 $_tile_overlayer_lowered  }
0x14: {  	s24 =	simm.s32 $0x1BFF;
	s23 =	sshll.u32 s7, $0x1;
	s4 =	sadd.s32 s5, s21  }
0x15: {  	s8 =	simm.s32 $0x0;
	s22 =	sshll.u32 s6, $0x1;
	s6 =	sadd.s32 s23, s4  }
0x16: {  	[timem:s8], [sflag:s24] =	dma.local [hbm:s6], s22  }
0x17: {  	_ =	swait.ge [sflag:s24], s22  }
0x18: {  	s5 =	ssub.s32 $0x0, s22;
	[sflag:s24] =	ssyncset.done $0x0  }
0x19: {  	[sflag:s24] =	ssyncadd.s32 s5;
	_ =	sdelay $0x1  }
0x1a: {  	s25 =	simm.s32 $0x1B8B  }
0x1b: {  	_ =	swait.ge [sflag:s25], $0x1  }
0x1c: {  	[sflag:s25] =	ssyncset.done $0x0  }
0x1d: {  	s26 =	simm.s32 $0x1B8E;
	[sflag:s25] =	ssyncadd.s32 $0xFFFFFFFF  }
0x1e: {  	s27 =	simm.s32 $execute0_lowered;
	[smem:$0x3FD2] =	sst s26  }
0x1f: {  	s5 =	sshll.u32 s27, $0x1;
	_ =	strace $0x80000046;
	[dreg:$0x1] =	wrdreg $0xFFFFFFFF  }
0x20: {  	s28 =	simm.s32 $_size_execute0_lowered;
	s4 =	sadd.s32 s4, s5;
	[dreg:$0x0] =	wrdreg $0x0  }
0x21: {  	s5 =	sshll.u32 s28, $0x1;
	[dreg:$0x2] =	wrdreg s4  }
0x22: {  	[dreg:$0x3] =	wrdreg s5  }
0x23: {  	[dreg:$0x4] =	wrdreg $0xC0  }
0x24: {  	_ =	task [dreg:s8], $0x5FFFF  }
0x25: {  	[dreg:$0x1] =	wrdreg $0xFFFFFFFF  }
0x26: {  	[dreg:$0x0] =	wrdreg $0x60  }
0x27: {  	[dreg:$0x2] =	wrdreg s2  }
0x28: {  	[dreg:$0x3] =	wrdreg s20  }
0x29: {  	[dreg:$0x4] =	wrdreg $0x9  }
0x2a: {  	_ =	task.clear_ibuf [dreg:s8], $0x5FFFF;
	_ =	strace $0x90000046  }
0x2b: {  	s29 =	simm.s32 $0x9;
	_ =	strace $0x80000048  }
0x2c: {  	_ =	swait.ge [sflag:s29], $0x1  }
0x2d: {  	[sflag:s29] =	ssyncadd.s32 $0xFFFFFFFF  }
0x2e: {  	_ =	strace $0x90000048  }
0x2f: {  	_ =	sfence  }
0x30: {  	s30 =	sld [smem:$0x0];
	_ =	sdelay $0x2  }
0x31: {  	s31 =	sshll.u32 s1, $0xD;
	s1 =	sshrl.u32 s1, $0x2  }
0x32: {  	s3 =	sand.u32 $0x4000, s31;
	s1 =	sadd.s32 s1, s30  }
0x33: {  	s0 =	sor.u32 s3, s0;
	s1 =	sshll.u32 s1, $0x11  }
0x34: {  	s0 =	sor.u32 s1, s0  }
0x35: {  	s0 =	sadd.s32 $0x8F2B, s0  }
0x36: {  	[sflag:s0] =	ssyncadd.remote.s32 $0x1  }
0x37: {  	_ =	sfence.sel $0xFFFF  }
0x38: {  	[dreg:$0x0] =	wrdreg $0xFFFFFFFF;
	(pc) =	sbr.abs _section_cstart, $3  }
0x39: {  	[dreg:$0x1] =	wrdreg $0xFFFFFFFF  }
0x3a: {  	_ =	task.clear_ibuf [dreg:s8], $0x2FFFF;
	_ =	strace $0x9FFFFFFF  }
0x3b: {  	(tm) =	ssettm $0x7FFFFFFF  }
tec
execute0_lowered:
.L_overlay_start_1:
0x0: {  	(tag) =	ssettag $0x1  }
0x1: {  	s2 =	rddreg [dreg:$0x0]  }
0x2: {  	s3 =	rddreg [dreg:$0x1]  }
0x3: {  	s0 =	rddreg [dreg:$0x2];
	_ =	strace $0x80000047  }
0x4: {  	s4 =	srdreg.scid;
	s1 =	stileid.u32;
	s6 =	simm.s32 $0x2  }
.Ltmp0:
0x5: {  	s11 =	simm.s32 $0x0;
	p0 =	por $0x0, $0x0;
	(pc) =	sbr.rel .LBB1_1-.Ltmp0, $4  }
0x6: {  	s7 =	simm.s32 $0x2000;
	s12 =	simm.s32 $0x0;
	s5 =	sshll.u32 s4, $0x4  }
0x7: {  	s9 =	simm.s32 $0x0;
	s4 =	simm.s32 $0x1;
	s5 =	sand.u32 $0x10, s5  }
0x8: {  	s8 =	simm.s32 $0x0;
	[sflag:s4] =	ssyncpa.u1 $0x0;
	s5 =	sor.u32 s1, s5  }
0x9: {  	[sflag:s6] =	ssyncpa.u1 $0x0;
	s6 =	simm.s32 $0x800;
	s10 =	smov.u32 s5  }
.LBB1_7:
0xa: {  	s13 =	sadd.s32 $0x10, s9  }
0xb: {  	s11 =	sadd.s32 $0x20, s10;
	s15 =	smov.u32 s10;
	p2 =	sgt.s32 s13, $0x3F  }
0xc: {  	p1 =	slt.u32 s8, $0x2;
	s15 =	smov.u32 @p2 s11  }
0xd: {  	s8 =	sadd.s32 $0x1, s8;
	s13 =	simm.s32 @p2 $0x0;
	p2 =	sgt.s32 s15, $0x1FF  }
0xe: {  	s15 =	smov.u32 @p2 s5;
	p2 =	sne.s32 s8, $0x42  }
.Ltmp1:
0xf: {  	_ = 	snop;
	(pc) =	sbr.rel @!p2 .LBB1_8-.Ltmp1, $4  }
0x10: {  	s14 =	simm.s32 @!p1 $0x2  }
0x11: {  	s12 =	smov.u32 s10;
	_ =	swait.ge @!p1 [sflag:s14], $0x4000  }
0x12: {  	p0 =	por !p0, !p0;
	s11 =	smov.u32 s9;
	[sflag:s14] =	ssyncset.done @!p1 $0x0  }
0x13: {  	s9 =	smov.u32 s13;
	[sflag:s14] =	ssyncadd.s32 @!p1 $0xFFFFC000;
	s10 =	smov.u32 s15  }
.LBB1_1:
0x14: {  	p1 =	sgt.u32 s8, $0x3F  }
0x15: {  	s13 =	sxor.u32 @!p1 $0xFFFFFFFF, s8;
	s14 =	sshll.u32 @!p1 s10, $0xD  }
0x16: {  	s15 =	sshll.u32 @!p1 s9, $0x7;
	s13 =	sshll.u32 @!p1 s13, $0xE;
	s14 =	sadd.s32 @!p1 s2, s14  }
0x17: {  	s13 =	sand.u32 @!p1 $0x4000, s13;
	s14 =	sadd.s32 @!p1 s15, s14;
	s15 =	simm.s32 @!p1 $0x0  }
0x18: {  	[tilespmem:s13], [sflag:$0x1] =	stream.linear.gather @!p1 [hbm4b:s14+s15], $0x4000, $0x38;
	[tilespmem:$0x10000] =	vst v63  }
0x19: {  	p1 =	seq.s32 s8, $0x0  }
0x1a: {  	p2 =	seq.s32 @!p1 s8, $0x41  }
0x1b: {  	p1 =	por p1, p2  }
.Ltmp2:
0x1c: {  	_ = 	snop;
	(pc) =	sbr.rel @p1 .LBB1_7-.Ltmp2, $1  }
0x1d: {  	_ =	sdelay $0x3  }
0x1e: {  	s13 =	simm.s32 $0x1;
	_ =	swait.ge [sflag:s4], $0x4000;
	s16 =	sshll.u32 s8, $0xE  }
0x1f: {  	s13 =	simm.s32 @!p0 $0x0;
	[sflag:s4] =	ssyncset.done $0x0;
	s31 =	sand.u32 $0x4000, s16  }
0x20: {  	s16 =	simm.s32 $0x0;
	s14 =	sshll.u32 s13, $0xE;
	[sflag:s4] =	ssyncadd.s32 $0xFFFFC000  }
0x21: {  	s13 =	sor.u32 $0x8040, s14;
	s15 =	sor.u32 $0x40, s14;
	s14 =	sor.u32 $0x8000, s31  }
.LBB1_3:
0x22: {  	v0 =	vmov s15;
	_ =	sdelay $0x3  }
0x23: {  	s18 =	simm.s32 $0x0  }
0x24: {  	v6 =	vld.idx.msk [tilespmem:v0+s18+$0x30 ss:$0x1], $0xffff  }
0x25: {  	v7 =	vld.idx.msk [tilespmem:v0+s18+$0xFFFFFFC0 ss:$0x1], $0xffff  }
0x26: {  	v5 =	vld.idx.msk [tilespmem:v0+s18+$0xFFFFFFD0 ss:$0x1], $0xffff  }
0x27: {  	v4 =	vld.idx.msk [tilespmem:v0+s18+$0xFFFFFFE0 ss:$0x1], $0xffff  }
0x28: {  	v3 =	vld.idx.msk [tilespmem:v0+s18+$0xFFFFFFF0 ss:$0x1], $0xffff  }
0x29: {  	v1 =	vld.idx.msk [tilespmem:v0+s18+$0x0 ss:$0x1], $0xffff  }
0x2a: {  	v2 =	vld.idx.msk [tilespmem:v0+s18+$0x10 ss:$0x1], $0xffff;
	[tilespmem:s13+$0x30] =	vst v6  }
0x2b: {  	s17 =	simm.s32 $0x80;
	s19 =	simm.s32 $0x400;
	[tilespmem:s13+$0xFFFFFFC0] =	vst v7;
	v6 =	vld.idx.msk [tilespmem:v0+s18+$0x20 ss:$0x1], $0xffff;
	s18 =	smov.u32 s13  }
.LBB1_4:
0x2c: {  	p1 =	sne.s32 s19, $0xE00;
	v7 =	vld.idx.msk [tilespmem:v0+s17+$0x30 ss:$0x1], $0xffff;
	[tilespmem:s18+$0xFFFFFFD0] =	vst v5  }
0x2d: {  	v8 =	vld.idx.msk [tilespmem:v0+s17+$0xFFFFFFC0 ss:$0x1], $0xffff;
	[tilespmem:s18+$0xFFFFFFE0] =	vst v4  }
0x2e: {  	v5 =	vld.idx.msk [tilespmem:v0+s17+$0xFFFFFFD0 ss:$0x1], $0xffff;
	[tilespmem:s18+$0xFFFFFFF0] =	vst v3  }
.Ltmp3:
0x2f: {  	v4 =	vld.idx.msk [tilespmem:v0+s17+$0xFFFFFFE0 ss:$0x1], $0xffff;
	[tilespmem:s18+$0x0] =	vst v1;
	(pc) =	sbr.rel @p1 .LBB1_4-.Ltmp3, $4  }
0x30: {  	v3 =	vld.idx.msk [tilespmem:v0+s17+$0xFFFFFFF0 ss:$0x1], $0xffff;
	[tilespmem:s18+$0x10] =	vst v2  }
0x31: {  	v1 =	vld.idx.msk [tilespmem:v0+s17+$0x0 ss:$0x1], $0xffff;
	[tilespmem:s18+$0x20] =	vst v6;
	s18 =	sadd.s32 $0x800, s18  }
0x32: {  	v2 =	vld.idx.msk [tilespmem:v0+s17+$0x10 ss:$0x1], $0xffff;
	[tilespmem:s18+$0x30] =	vst v7  }
0x33: {  	[tilespmem:s18+$0xFFFFFFC0] =	vst v8;
	v6 =	vld.idx.msk [tilespmem:v0+s17+$0x20 ss:$0x1], $0xffff;
	s17 =	sshra.s32 s19, $0x2;
	s19 =	sadd.s32 $0x200, s19  }
0x34: {  	_ =	sdelay $0x2  }
0x35: {  	[tilespmem:s18+$0xFFFFFFD0] =	vst v5  }
0x36: {  	v56 =	vld.idx.msk [tilespmem:v0+s17+$0x30 ss:$0x1], $0xffff;
	[tilespmem:s18+$0xFFFFFFE0] =	vst v4  }
0x37: {  	v57 =	vld.idx.msk [tilespmem:v0+s17+$0xFFFFFFC0 ss:$0x1], $0xffff;
	[tilespmem:s18+$0xFFFFFFF0] =	vst v3  }
0x38: {  	v58 =	vld.idx.msk [tilespmem:v0+s17+$0xFFFFFFD0 ss:$0x1], $0xffff;
	[tilespmem:s18+$0x0] =	vst v1  }
0x39: {  	v59 =	vld.idx.msk [tilespmem:v0+s17+$0xFFFFFFE0 ss:$0x1], $0xffff;
	[tilespmem:s18+$0x10] =	vst v2  }
0x3a: {  	v60 =	vld.idx.msk [tilespmem:v0+s17+$0xFFFFFFF0 ss:$0x1], $0xffff;
	s31 =	sadd.s32 $0x800, s18;
	[tilespmem:s18+$0x20] =	vst v6  }
0x3b: {  	v61 =	vld.idx.msk [tilespmem:v0+s17+$0x0 ss:$0x1], $0xffff;
	[tilespmem:s31+$0x30] =	vst v56  }
0x3c: {  	v62 =	vld.idx.msk [tilespmem:v0+s17+$0x10 ss:$0x1], $0xffff;
	s16 =	sadd.s32 $0x1, s16;
	[tilespmem:s31+$0xFFFFFFC0] =	vst v57  }
0x3d: {  	v63 =	vld.idx.msk [tilespmem:v0+s17+$0x20 ss:$0x1], $0xffff;
	p1 =	sne.s32 s16, $0x10;
	[tilespmem:s31+$0xFFFFFFD0] =	vst v58  }
.Ltmp4:
0x3e: {  	[tilespmem:s31+$0xFFFFFFE0] =	vst v59;
	(pc) =	sbr.rel @p1 .LBB1_3-.Ltmp4, $4  }
0x3f: {  	[tilespmem:s31+$0xFFFFFFF0] =	vst v60  }
0x40: {  	[tilespmem:s31+$0x0] =	vst v61  }
0x41: {  	[tilespmem:s31+$0x10] =	vst v62  }
0x42: {  	s13 =	sadd.s32 $0x80, s13;
	s15 =	sadd.s32 $0x400, s15;
	[tilespmem:s31+$0x20] =	vst v63  }
.Ltmp5:
0x43: {  	(pc) =	sbr.rel .LBB1_7-.Ltmp5, $4  }
0x44: {  	s12 =	sshll.u32 s12, $0xD;
	s11 =	sshll.u32 s11, $0x4  }
0x45: {  	s11 =	sand.u32 $0x3F0, s11;
	s12 =	sadd.s32 s3, s12  }
0x46: {  	s11 =	sadd.s32 s11, s12  }
0x47: {  	[hbm4b:s11+s6] =	stream.strided.scatter [tilespmem:s14], [sflag:$0x2], $0x4000, s7, s6, $0x38;
	[tilespmem:$0x10000] =	vst v63  }
.LBB1_8:
0x48: {  	_ =	sfence.sel $0x180000  }
0x49: {  	s2 =	simm.s32 $0x1;
	[bflag:$0x0] =	sbarrier.arrive $0xFFFF  }
0x4a: {  	s31 =	simm.s32 $0x2;
	[sflag:s2] =	ssyncpa.u1 $0x1  }
0x4b: {  	[sflag:s31] =	ssyncpa.u1 $0x1  }
0x4c: {  	p0 =	sne.s32 s1, $0x0;
	_ =	strace $0x90000047  }
0x4d: {  	s0 =	sadd.s32 @!p0 $0x100000, s0;
	[bflag:$0x2] =	sbarrier.arrive $0xFFFF  }
0x4e: {  	[sflag:s0] =	ssyncadd.tile.s32 @!p0 $0x1;
	_ =	shalt  }
.Lfunc_end1:
_tile_overlayer_lowered:
.L_overlay_start_2:
0x4f: {  	(tag) =	ssettag $0x2  }
0x50: {  	s0 =	rddreg [dreg:$0x0];
	s2 =	stileid.u32  }
0x51: {  	s1 =	rddreg [dreg:$0x1];
	p0 =	sne.s32 s2, $0x0  }
0x52: {  	s3 =	rddreg [dreg:$0x2];
	[bflag:$0x3] =	sbarrier.arrive $0xFFFF;
	s2 =	simm.s32 @!p0 $0x1C01  }
0x53: {  	[timem:s3], [sflag:s2] =	dma.local @!p0 [hbm:s0], s1  }
0x54: {  	s0 =	simm.s32 @!p0 $0x1  }
0x55: {  	_ =	swait.ge @!p0 [sflag:s0], s1  }
0x56: {  	s1 =	ssub.s32 @!p0 $0x0, s1;
	[sflag:s0] =	ssyncset.done @!p0 $0x0  }
0x57: {  	[sflag:s0] =	ssyncadd.s32 @!p0 s1  }
0x58: {  	[bflag:$0x3] =	sbarrier.arrive $0xFFFF  }
0x59: {  	_ =	shalt  }

</sc_bundles>
